<compile_context>
chip_gen: v7x
topology: tpu7x:2x2x1
jax: 0.10.2.dev20260603
libtpu: 0.0.44.dev20260713+nightly
codegen_flags: <defaults>
</compile_context>

<pallas_src>
import functools

import jax
import jax.numpy as jnp
from jax import lax
from jax.experimental import pallas as pl
from jax.experimental.pallas import tpu as pltpu
from jax.experimental.pallas import tpu_sc as plsc

NKEYS = 100000
D = 128
QT = 256
KC = 1024
G1 = 8
G2 = 128
NKP = 102400
NG1 = NKP // G1
NG2 = NKP // G2
TOPK = 64
TQT = 256


def _score_body(qn_ref, kn_ref, q_ref, k_ref, s_ref, l1_ref, gm_ref):
    kc = pl.program_id(1)
    q = q_ref[...]
    k = k_ref[...]
    s = lax.dot_general(q, k, (((1,), (1,)), ((), ())),
                        preferred_element_type=jnp.float32)
    norm = qn_ref[...] * kn_ref[...]
    norm = jnp.where(norm > 1e-8, norm, 1e-8)
    cos = s / norm
    col = kc * KC + lax.broadcasted_iota(jnp.int32, (QT, KC), 1)
    cos = jnp.where(col < NKEYS, cos, -1e30)
    s_ref[...] = cos
    l1 = cos[:, 0:G2]
    for j in range(1, KC // G2):
        l1 = jnp.maximum(l1, cos[:, j * G2:(j + 1) * G2])
    l1_ref[0] = l1
    m = l1
    for sh in (8, 4, 2, 1):
        m = jnp.maximum(m, pltpu.roll(m, G2 - sh, 1))
    nh = KC // G2
    onehot = (lax.broadcasted_iota(jnp.int32, (G2, nh), 0)
              == 16 * lax.broadcasted_iota(jnp.int32, (G2, nh), 1)
              ).astype(jnp.float32)
    gm_ref[0] = lax.dot_general(m, onehot, (((1,), (0,)), ((), ())),
                                precision=lax.Precision.HIGHEST,
                                preferred_element_type=jnp.float32)


def _scores_and_group_max(query, key_pad, qn, kn):
    B = query.shape[0]
    return pl.pallas_call(
        _score_body,
        grid=(B // QT, NKP // KC),
        in_specs=[
            pl.BlockSpec((QT, 1), lambda q, c: (q, 0)),
            pl.BlockSpec((1, KC), lambda q, c: (0, c)),
            pl.BlockSpec((QT, D), lambda q, c: (q, 0)),
            pl.BlockSpec((KC, D), lambda q, c: (c, 0)),
        ],
        out_specs=[
            pl.BlockSpec((QT, KC), lambda q, c: (q, c)),
            pl.BlockSpec((1, QT, G2), lambda q, c: (c, q, 0)),
            pl.BlockSpec((1, QT, KC // G2), lambda q, c: (c, q, 0)),
        ],
        out_shape=[
            jax.ShapeDtypeStruct((B, NKP), jnp.float32),
            jax.ShapeDtypeStruct((NKP // KC, B, G2), jnp.float32),
            jax.ShapeDtypeStruct((NKP // KC, B, KC // G2), jnp.float32),
        ],
        compiler_params=pltpu.CompilerParams(
            dimension_semantics=("parallel", "arbitrary")),
    )(qn, kn, query, key_pad)


def _topk_body(x_ref, w_ref, i_ref, xs_ref):
    R, W = x_ref.shape
    xs_ref[...] = x_ref[...]
    ii = lax.broadcasted_iota(jnp.int32, (R, W), 1)
    t64 = lax.broadcasted_iota(jnp.int32, (R, TOPK), 1)

    def body(t, carry):
        w_acc, i_acc = carry
        x = xs_ref[...]
        m = jnp.max(x, axis=1, keepdims=True)
        am = jnp.min(jnp.where(x == m, ii, W), axis=1, keepdims=True)
        xs_ref[...] = jnp.where(ii == am, -jnp.inf, x)
        w_acc = jnp.where(t64 == t, m, w_acc)
        i_acc = jnp.where(t64 == t, am, i_acc)
        return w_acc, i_acc

    w, i = lax.fori_loop(
        0, TOPK, body,
        (jnp.zeros((R, TOPK), jnp.float32), jnp.zeros((R, TOPK), jnp.int32)))
    w_ref[...] = w
    i_ref[...] = i


def _topk64(x):
    B, W = x.shape
    return pl.pallas_call(
        _topk_body,
        grid=(B // TQT,),
        in_specs=[pl.BlockSpec((TQT, W), lambda r: (r, 0))],
        out_specs=[
            pl.BlockSpec((TQT, TOPK), lambda r: (r, 0)),
            pl.BlockSpec((TQT, TOPK), lambda r: (r, 0)),
        ],
        out_shape=[
            jax.ShapeDtypeStruct((B, TOPK), jnp.float32),
            jax.ShapeDtypeStruct((B, TOPK), jnp.int32),
        ],
        scratch_shapes=[pltpu.VMEM((TQT, W), jnp.float32)],
        compiler_params=pltpu.CompilerParams(
            dimension_semantics=("parallel",)),
    )(x)


def _topk_idx_body(x_ref, c_ref, w_ref, i_ref, xs_ref):
    R, W = x_ref.shape
    xs_ref[...] = x_ref[...]
    cmap = c_ref[...]
    t64 = lax.broadcasted_iota(jnp.int32, (R, TOPK), 1)

    def body(t, carry):
        w_acc, i_acc = carry
        x = xs_ref[...]
        m = jnp.max(x, axis=1, keepdims=True)
        am = jnp.min(jnp.where(x == m, cmap, 2 ** 31 - 1), axis=1,
                     keepdims=True)
        xs_ref[...] = jnp.where(cmap == am, -jnp.inf, x)
        w_acc = jnp.where(t64 == t, m, w_acc)
        i_acc = jnp.where(t64 == t, am, i_acc)
        return w_acc, i_acc

    w, i = lax.fori_loop(
        0, TOPK, body,
        (jnp.zeros((R, TOPK), jnp.float32), jnp.zeros((R, TOPK), jnp.int32)))
    w_ref[...] = w
    i_ref[...] = i


def _topk64_idx(x, cols):
    B, W = x.shape
    return pl.pallas_call(
        _topk_idx_body,
        grid=(B // TQT,),
        in_specs=[pl.BlockSpec((TQT, W), lambda r: (r, 0)),
                  pl.BlockSpec((TQT, W), lambda r: (r, 0))],
        out_specs=[
            pl.BlockSpec((TQT, TOPK), lambda r: (r, 0)),
            pl.BlockSpec((TQT, TOPK), lambda r: (r, 0)),
        ],
        out_shape=[
            jax.ShapeDtypeStruct((B, TOPK), jnp.float32),
            jax.ShapeDtypeStruct((B, TOPK), jnp.int32),
        ],
        scratch_shapes=[pltpu.VMEM((TQT, W), jnp.float32)],
        compiler_params=pltpu.CompilerParams(
            dimension_semantics=("parallel",)),
    )(x, cols)


def _sc_gather(table, idx):
    info = plsc.get_sparse_core_info()
    nw = info.num_cores * info.num_subcores
    btot = idx.shape[0]
    bpw = btot // nw
    ch = 128
    mesh = plsc.VectorSubcoreMesh(core_axis_name="c", subcore_axis_name="s")

    @functools.partial(
        pl.kernel, mesh=mesh,
        out_type=jax.ShapeDtypeStruct((btot, D), jnp.float32),
        scratch_types=[
            pltpu.VMEM((ch,), jnp.int32),
            pltpu.VMEM((ch, D), jnp.float32),
            pltpu.SemaphoreType.DMA,
        ],
    )
    def k(table_hbm, idx_hbm, out_hbm, idx_v, rows_v, sem):
        wid = lax.axis_index("s") * info.num_cores + lax.axis_index("c")
        base = wid * bpw

        def body(i, carry):
            off = base + i * ch
            pltpu.sync_copy(idx_hbm.at[pl.ds(off, ch)], idx_v)
            pltpu.async_copy(table_hbm.at[idx_v], rows_v, sem).wait()
            pltpu.sync_copy(rows_v, out_hbm.at[pl.ds(off, ch)])
            return carry

        lax.fori_loop(0, bpw // ch, body, 0)

    return k(table, idx)


def _scale_body(v_ref, w_ref, o_ref):
    o_ref[...] = v_ref[...] * w_ref[...]


def _scale(vals, w):
    n = vals.shape[0]
    rt = 2048
    return pl.pallas_call(
        _scale_body,
        grid=(n // rt,),
        in_specs=[pl.BlockSpec((rt, D), lambda r: (r, 0)),
                  pl.BlockSpec((rt, 1), lambda r: (r, 0))],
        out_specs=pl.BlockSpec((rt, D), lambda r: (r, 0)),
        out_shape=jax.ShapeDtypeStruct((n, D), jnp.float32),
        compiler_params=pltpu.CompilerParams(
            dimension_semantics=("parallel",)),
    )(vals, w)


def kernel(query, key_dict, value_dict, top_n):
    B = query.shape[0]
    key_pad = jnp.pad(key_dict, ((0, NKP - NKEYS), (0, 0)))
    qn = jnp.sqrt(jnp.sum(query * query, axis=1, keepdims=True))
    kn = jnp.sqrt(jnp.sum(key_pad * key_pad, axis=1))[None, :]
    scores, l13, gm3 = _scores_and_group_max(query, key_pad, qn, kn)
    gm = gm3.transpose(1, 0, 2).reshape(B, NG2)
    l1m = l13.transpose(1, 0, 2).reshape(B, NG1)

    _, gi = _topk64(gm)
    cols1 = ((gi[:, :, None] // 8) * 128 + (gi[:, :, None] % 8) * 16
             + jnp.arange(16, dtype=gi.dtype)[None, None, :]).reshape(B, TOPK * 16)
    c1 = jnp.take_along_axis(l1m, cols1, axis=1)

    _, a1 = _topk64(c1)
    lid = jnp.take_along_axis(cols1, a1, axis=1)
    cols = ((lid[:, :, None] // G2) * KC + lid[:, :, None] % G2
            + G2 * jnp.arange(G1, dtype=lid.dtype)[None, None, :]
            ).reshape(B, TOPK * G1)
    cand = jnp.take_along_axis(scores, cols, axis=1)

    w, idx = _topk64_idx(cand, cols)
    vals = _sc_gather(value_dict, idx.reshape(-1))
    return _scale(vals, w.reshape(-1, 1)).reshape(B, TOPK, D)

# --- scband reference (transcript-rebuilt; emitter-appended) ---
"""Pipeline reference for scband-top-ngenerator-46523085750327 (READ-ONLY COPY).

The authoritative reference and input builder live on the scoring server;
editing this copy changes nothing except your own understanding.
"""

import jax, jax.numpy as jnp
import numpy as np

NUM_EMB = 100000
KEY_DIM = 128
VAL_DIM = 128
BATCH = 4096
TOP_N = 64


def setup_inputs(seed: int = 0) -> dict:
    key = jax.random.key(seed)
    k1, k2, k3 = jax.random.split(key, 3)
    query = jax.random.normal(k1, (BATCH, KEY_DIM), dtype=jnp.float32)
    key_dict = jax.random.normal(k2, (NUM_EMB, KEY_DIM), dtype=jnp.float32)
    value_dict = jax.random.normal(k3, (NUM_EMB, VAL_DIM), dtype=jnp.float32)
    return {"query": query, "key_dict": key_dict, "value_dict": value_dict, "top_n": TOP_N}


def reference(query, key_dict, value_dict, top_n):
    # prod = query @ key_dict.T
    prod = query @ key_dict.T  # (B, N)
    # norm = ||query|| * ||key||
    qn = jnp.linalg.norm(query, axis=-1)[:, None]  # (B, 1)
    kn = jnp.linalg.norm(key_dict, axis=-1)  # (N,)
    norm = qn * kn  # (B, N)
    # F.threshold(norm, 1e-8, 1e-8): x if x > thr else value
    norm_t = jnp.where(norm > 1e-08, norm, 1e-08)
    cos = prod / norm_t
    top_n = jnp.asarray(top_n)
    cos = cos + (top_n - top_n).astype(cos.dtype)
    weights, indices = jax.lax.top_k(cos, TOP_N)  # (B, top_n)
    values = value_dict[indices] * weights[..., None]  # (B, top_n, VAL_DIM)
    return values

if __name__ == "__main__":
    import jax
    _d = setup_inputs()
    print(jax.jit(kernel)(*tuple(_d.values())))

</pallas_src>

<mosaic_0001>
#map = affine_map<(d0, d1) -> (0, 0)>
#map1 = affine_map<(d0, d1) -> (0)>
module attributes {stable_mosaic.version = 14 : i64} {
  func.func @k(%arg0: i32, %arg1: i32, %arg2: memref<100000x128xf32, #tpu.memory_space<hbm>>, %arg3: memref<262144xi32, #tpu.memory_space<hbm>>, %arg4: memref<262144x128xf32, #tpu.memory_space<hbm>>, %arg5: memref<128xi32, #tpu.memory_space<vmem>>, %arg6: memref<128x128xf32, #tpu.memory_space<vmem>>, %arg7: memref<!tpu.dma_semaphore, #tpu.memory_space<semaphore_mem>>) attributes {dimension_semantics = [#tpu.dimension_semantics<core_parallel>, #tpu.dimension_semantics<subcore_parallel>], iteration_bounds = array<i64: 2, 16>, scalar_prefetch = 0 : i64, scratch_operands = 3 : i64, tpu.core_type = #tpu.core_type<sc_vector_subcore>, window_params = [{transform_indices = #map}, {transform_indices = #map1}, {transform_indices = #map}]} {
    %mul3A = arith.constant 2 : i32
    %mul3A_0 = arith.muli %arg1, %mul3A : i32
    %add3A = arith.addi %mul3A_0, %arg0 : i32
    %mul3A_1 = arith.constant 8192 : i32
    %mul3A_2 = arith.muli %add3A, %mul3A_1 : i32
    %scan3A = arith.constant 0 : i32
    %scan3A_3 = arith.constant 0 : i32
    %scan3A_4 = arith.constant 64 : i32
    %scan3A_5 = arith.addi %scan3A_3, %scan3A_4 : i32
    %scan3A_6 = arith.constant 1 : i32
    scf.for %scan3A_8 = %scan3A_3 to %scan3A_5 step %scan3A_6  : i32 {
      %mul3A_9 = arith.constant 128 : i32
      %mul3A_10 = arith.muli %scan3A_8, %mul3A_9 : i32
      %add3A_11 = arith.addi %mul3A_2, %mul3A_10 : i32
      "tpu.region"() ({
        %run_scoped3A = tpu.sem_alloc : memref<!tpu.dma_semaphore, #tpu.memory_space<semaphore_mem>>
        %dma_start3A_16 = tpu.memref_slice %arg3[%add3A_11] : memref<262144xi32, #tpu.memory_space<hbm>> -> memref<128xi32, #tpu.memory_space<hbm>>
        %dma_start3A_17 = tpu.memref_slice %arg3[%add3A_11] : memref<262144xi32, #tpu.memory_space<hbm>> -> memref<128xi32, #tpu.memory_space<hbm>>
        tpu.enqueue_dma source(%dma_start3A_17 : memref<128xi32, #tpu.memory_space<hbm>>) target(%arg5 : memref<128xi32, #tpu.memory_space<vmem>>) target_semaphore(%run_scoped3A : memref<!tpu.dma_semaphore, #tpu.memory_space<semaphore_mem>>)
        %dma_wait3A_18 = tpu.memref_slice %arg3[%add3A_11] : memref<262144xi32, #tpu.memory_space<hbm>> -> memref<128xi32, #tpu.memory_space<hbm>>
        %dma_wait3A_19 = tpu.memref_slice %arg3[%add3A_11] : memref<262144xi32, #tpu.memory_space<hbm>> -> memref<128xi32, #tpu.memory_space<hbm>>
        tpu.wait_dma2 semaphore(%run_scoped3A : memref<!tpu.dma_semaphore, #tpu.memory_space<semaphore_mem>>) src(%dma_wait3A_19 : memref<128xi32, #tpu.memory_space<hbm>>) dst(%arg5 : memref<128xi32, #tpu.memory_space<vmem>>)
        tpu.yield
      }) : () -> ()
      %dma_start3A = arith.constant 0 : i32
      %dma_start3A_12 = arith.constant 0 : i32
      %dma_start3A_13 = tpu.memref_slice %arg2[%dma_start3A, %dma_start3A_12] : memref<100000x128xf32, #tpu.memory_space<hbm>> -> memref<100000x128xf32, #tpu.memory_space<hbm>>
      tpu.enqueue_indirect_dma source(%dma_start3A_13 : memref<100000x128xf32, #tpu.memory_space<hbm>>) target(%arg6 : memref<128x128xf32, #tpu.memory_space<vmem>>) offsets(%arg5 : memref<128xi32, #tpu.memory_space<vmem>>) semaphore(%arg7 : memref<!tpu.dma_semaphore, #tpu.memory_space<semaphore_mem>>)
      %dma_wait3A = arith.constant 0 : i32
      %dma_wait3A_14 = arith.constant 0 : i32
      %dma_wait3A_15 = tpu.memref_slice %arg2[%dma_wait3A, %dma_wait3A_14] : memref<100000x128xf32, #tpu.memory_space<hbm>> -> memref<100000x128xf32, #tpu.memory_space<hbm>>
      tpu.wait_indirect_dma semaphore(%arg7 : memref<!tpu.dma_semaphore, #tpu.memory_space<semaphore_mem>>) src(%dma_wait3A_15 : memref<100000x128xf32, #tpu.memory_space<hbm>>) dst(%arg6 : memref<128x128xf32, #tpu.memory_space<vmem>>)
      "tpu.region"() ({
        %run_scoped3A = tpu.sem_alloc : memref<!tpu.dma_semaphore, #tpu.memory_space<semaphore_mem>>
        %dma_start3A_16 = arith.constant 0 : i32
        %dma_start3A_17 = tpu.memref_slice %arg4[%add3A_11, %dma_start3A_16] : memref<262144x128xf32, #tpu.memory_space<hbm>> -> memref<128x128xf32, #tpu.memory_space<hbm>>
        %dma_start3A_18 = arith.constant 0 : i32
        %dma_start3A_19 = tpu.memref_slice %arg4[%add3A_11, %dma_start3A_18] : memref<262144x128xf32, #tpu.memory_space<hbm>> -> memref<128x128xf32, #tpu.memory_space<hbm>>
        tpu.enqueue_dma source(%arg6 : memref<128x128xf32, #tpu.memory_space<vmem>>) target(%dma_start3A_19 : memref<128x128xf32, #tpu.memory_space<hbm>>) target_semaphore(%run_scoped3A : memref<!tpu.dma_semaphore, #tpu.memory_space<semaphore_mem>>)
        %dma_wait3A_20 = arith.constant 0 : i32
        %dma_wait3A_21 = tpu.memref_slice %arg4[%add3A_11, %dma_wait3A_20] : memref<262144x128xf32, #tpu.memory_space<hbm>> -> memref<128x128xf32, #tpu.memory_space<hbm>>
        %dma_wait3A_22 = arith.constant 0 : i32
        %dma_wait3A_23 = tpu.memref_slice %arg4[%add3A_11, %dma_wait3A_22] : memref<262144x128xf32, #tpu.memory_space<hbm>> -> memref<128x128xf32, #tpu.memory_space<hbm>>
        tpu.wait_dma2 semaphore(%run_scoped3A : memref<!tpu.dma_semaphore, #tpu.memory_space<semaphore_mem>>) src(%arg6 : memref<128x128xf32, #tpu.memory_space<vmem>>) dst(%dma_wait3A_23 : memref<128x128xf32, #tpu.memory_space<hbm>>)
        tpu.yield
      }) : () -> ()
    }
    %scan3A_7 = arith.constant 64 : i32
    return
  }
}

module attributes {stable_mosaic.version = 14 : i64} {
  func.func @_score_body(%arg0: i32, %arg1: i32, %arg2: memref<256x1xf32, #tpu.memory_space<vmem>>, %arg3: memref<1x1024xf32, #tpu.memory_space<vmem>>, %arg4: memref<256x128xf32, #tpu.memory_space<vmem>>, %arg5: memref<1024x128xf32, #tpu.memory_space<vmem>>, %arg6: memref<256x1024xf32, #tpu.memory_space<vmem>>, %arg7: memref<1x256x128xf32, #tpu.memory_space<vmem>>, %arg8: memref<1x256x8xf32, #tpu.memory_space<vmem>>) attributes {dimension_semantics = [#tpu.dimension_semantics<parallel>, #tpu.dimension_semantics<arbitrary>], iteration_bounds = array<i64: 16, 100>, scalar_prefetch = 0 : i64, scratch_operands = 0 : i64, tpu.core_type = #tpu.core_type<tc>, window_params = [{transform_indices = @transform_0, window_bounds = array<i64: 256, 1>}, {transform_indices = @transform_1, window_bounds = array<i64: 1, 1024>}, {transform_indices = @transform_2, window_bounds = array<i64: 256, 128>}, {transform_indices = @transform_3, window_bounds = array<i64: 1024, 128>}, {transform_indices = @transform_4, window_bounds = array<i64: 256, 1024>}, {transform_indices = @transform_5, window_bounds = array<i64: 1, 256, 128>}, {transform_indices = @transform_6, window_bounds = array<i64: 1, 256, 8>}]} {
    %get3A = arith.constant 0 : index
    %get3A_0 = arith.constant 0 : index
    %get3A_1 = vector.load %arg4[%get3A, %get3A_0] : memref<256x128xf32, #tpu.memory_space<vmem>>, vector<256x128xf32>
    %get3A_2 = arith.constant 0 : index
    %get3A_3 = arith.constant 0 : index
    %get3A_4 = vector.load %arg5[%get3A_2, %get3A_3] : memref<1024x128xf32, #tpu.memory_space<vmem>>, vector<1024x128xf32>
    %dot_general3A = arith.constant dense<0.000000e+00> : vector<256x1024xf32>
    %dot_general3A_5 = tpu.matmul %get3A_1, %get3A_4, %dot_general3A {dimension_numbers = #tpu.dot_dimension_numbers<[1], [1], [0], [0], [0, 0, 1, 0], [], []>, transpose_lhs_hint = false} : vector<256x128xf32>, vector<1024x128xf32>, vector<256x1024xf32> -> vector<256x1024xf32>
    %get3A_6 = arith.constant 0 : index
    %get3A_7 = arith.constant 0 : index
    %get3A_8 = vector.load %arg2[%get3A_6, %get3A_7] : memref<256x1xf32, #tpu.memory_space<vmem>>, vector<256x1xf32>
    %get3A_9 = arith.constant 0 : index
    %get3A_10 = arith.constant 0 : index
    %get3A_11 = vector.load %arg3[%get3A_9, %get3A_10] : memref<1x1024xf32, #tpu.memory_space<vmem>>, vector<1x1024xf32>
    %mul3A = vector.broadcast %get3A_8 : vector<256x1xf32> to vector<256x1024xf32>
    %mul3A_12 = vector.broadcast %get3A_11 : vector<1x1024xf32> to vector<256x1024xf32>
    %mul3A_13 = arith.mulf %mul3A, %mul3A_12 : vector<256x1024xf32>
    %gt3A = arith.constant 9.99999993E-9 : f32
    %gt3A_14 = vector.broadcast %gt3A : f32 to vector<256x1024xf32>
    %gt3A_15 = arith.cmpf ogt, %mul3A_13, %gt3A_14 : vector<256x1024xf32>
    %jit3A = arith.constant 9.99999993E-9 : f32
    %broadcast_in_dim3A = vector.broadcast %jit3A : f32 to vector<256x1024xf32>
    %select_n3A = arith.select %gt3A_15, %mul3A_13, %broadcast_in_dim3A : vector<256x1024xi1>, vector<256x1024xf32>
    %div3A = arith.divf %dot_general3A_5, %select_n3A : vector<256x1024xf32>
    %mul3A_16 = arith.constant 1024 : i32
    %mul3A_17 = arith.muli %arg1, %mul3A_16 : i32
    %iota3A = tpu.iota {dimensions = array<i32: 1>} : vector<256x1024xi32>
    %add3A = vector.broadcast %mul3A_17 : i32 to vector<256x1024xi32>
    %add3A_18 = arith.addi %add3A, %iota3A : vector<256x1024xi32>
    %lt3A = arith.constant 100000 : i32
    %lt3A_19 = vector.broadcast %lt3A : i32 to vector<256x1024xi32>
    %lt3A_20 = arith.cmpi slt, %add3A_18, %lt3A_19 : vector<256x1024xi32>
    %jit3A_21 = arith.constant -1.000000e+30 : f32
    %broadcast_in_dim3A_22 = vector.broadcast %jit3A_21 : f32 to vector<256x1024xf32>
    %select_n3A_23 = arith.select %lt3A_20, %div3A, %broadcast_in_dim3A_22 : vector<256x1024xi1>, vector<256x1024xf32>
    %swap3A = arith.constant 0 : index
    %swap3A_24 = arith.constant 0 : index
    %swap3A_25 = vector.load %arg6[%swap3A, %swap3A_24] : memref<256x1024xf32, #tpu.memory_space<vmem>>, vector<256x1024xf32>
    tpu.vector_store %arg6[%swap3A, %swap3A_24], %select_n3A_23 {strides = array<i32>} : memref<256x1024xf32, #tpu.memory_space<vmem>>, vector<256x1024xf32>,
    %slice3A = vector.extract_strided_slice %select_n3A_23 {offsets = [0, 0], sizes = [256, 128], strides = [1, 1]} : vector<256x1024xf32> to vector<256x128xf32>
    %slice3A_26 = vector.extract_strided_slice %select_n3A_23 {offsets = [0, 128], sizes = [256, 128], strides = [1, 1]} : vector<256x1024xf32> to vector<256x128xf32>
    %max3A = arith.maximumf %slice3A, %slice3A_26 : vector<256x128xf32>
    %slice3A_27 = vector.extract_strided_slice %select_n3A_23 {offsets = [0, 256], sizes = [256, 128], strides = [1, 1]} : vector<256x1024xf32> to vector<256x128xf32>
    %max3A_28 = arith.maximumf %max3A, %slice3A_27 : vector<256x128xf32>
    %slice3A_29 = vector.extract_strided_slice %select_n3A_23 {offsets = [0, 384], sizes = [256, 128], strides = [1, 1]} : vector<256x1024xf32> to vector<256x128xf32>
    %max3A_30 = arith.maximumf %max3A_28, %slice3A_29 : vector<256x128xf32>
    %slice3A_31 = vector.extract_strided_slice %select_n3A_23 {offsets = [0, 512], sizes = [256, 128], strides = [1, 1]} : vector<256x1024xf32> to vector<256x128xf32>
    %max3A_32 = arith.maximumf %max3A_30, %slice3A_31 : vector<256x128xf32>
    %slice3A_33 = vector.extract_strided_slice %select_n3A_23 {offsets = [0, 640], sizes = [256, 128], strides = [1, 1]} : vector<256x1024xf32> to vector<256x128xf32>
    %max3A_34 = arith.maximumf %max3A_32, %slice3A_33 : vector<256x128xf32>
    %slice3A_35 = vector.extract_strided_slice %select_n3A_23 {offsets = [0, 768], sizes = [256, 128], strides = [1, 1]} : vector<256x1024xf32> to vector<256x128xf32>
    %max3A_36 = arith.maximumf %max3A_34, %slice3A_35 : vector<256x128xf32>
    %slice3A_37 = vector.extract_strided_slice %select_n3A_23 {offsets = [0, 896], sizes = [256, 128], strides = [1, 1]} : vector<256x1024xf32> to vector<256x128xf32>
    %max3A_38 = arith.maximumf %max3A_36, %slice3A_37 : vector<256x128xf32>
    %swap3A_39 = arith.constant 0 : index
    %swap3A_40 = arith.constant 0 : index
    %swap3A_41 = arith.constant 0 : index
    %swap3A_42 = vector.load %arg7[%swap3A_39, %swap3A_40, %swap3A_41] : memref<1x256x128xf32, #tpu.memory_space<vmem>>, vector<1x256x128xf32>
    %swap3A_43 = vector.shape_cast %swap3A_42 : vector<1x256x128xf32> to vector<256x128xf32>
    %swap3A_44 = vector.shape_cast %max3A_38 : vector<256x128xf32> to vector<1x256x128xf32>
    tpu.vector_store %arg7[%swap3A_39, %swap3A_40, %swap3A_41], %swap3A_44 {strides = array<i32>} : memref<1x256x128xf32, #tpu.memory_space<vmem>>, vector<1x256x128xf32>,
    %roll3A = arith.constant 120 : i32
    %roll3A_45 = tpu.dynamic_rotate %max3A_38 by %roll3A dim 1 : vector<256x128xf32>, i32 -> vector<256x128xf32>
    %max3A_46 = arith.maximumf %max3A_38, %roll3A_45 : vector<256x128xf32>
    %roll3A_47 = arith.constant 124 : i32
    %roll3A_48 = tpu.dynamic_rotate %max3A_46 by %roll3A_47 dim 1 : vector<256x128xf32>, i32 -> vector<256x128xf32>
    %max3A_49 = arith.maximumf %max3A_46, %roll3A_48 : vector<256x128xf32>
    %roll3A_50 = arith.constant 126 : i32
    %roll3A_51 = tpu.dynamic_rotate %max3A_49 by %roll3A_50 dim 1 : vector<256x128xf32>, i32 -> vector<256x128xf32>
    %max3A_52 = arith.maximumf %max3A_49, %roll3A_51 : vector<256x128xf32>
    %roll3A_53 = arith.constant 127 : i32
    %roll3A_54 = tpu.dynamic_rotate %max3A_52 by %roll3A_53 dim 1 : vector<256x128xf32>, i32 -> vector<256x128xf32>
    %max3A_55 = arith.maximumf %max3A_52, %roll3A_54 : vector<256x128xf32>
    %iota3A_56 = tpu.iota {dimensions = array<i32: 0>} : vector<128x8xi32>
    %iota3A_57 = tpu.iota {dimensions = array<i32: 1>} : vector<128x8xi32>
    %mul3A_58 = arith.constant 16 : i32
    %mul3A_59 = vector.broadcast %mul3A_58 : i32 to vector<128x8xi32>
    %mul3A_60 = arith.muli %mul3A_59, %iota3A_57 : vector<128x8xi32>
    %eq3A = arith.cmpi eq, %iota3A_56, %mul3A_60 : vector<128x8xi32>
    %convert_element_type3A = arith.extui %eq3A : vector<128x8xi1> to vector<128x8xi32>
    %convert_element_type3A_61 = arith.sitofp %convert_element_type3A : vector<128x8xi32> to vector<128x8xf32>
    %dot_general3A_62 = arith.constant dense<0.000000e+00> : vector<256x8xf32>
    %dot_general3A_63 = tpu.matmul %max3A_55, %convert_element_type3A_61, %dot_general3A_62 {dimension_numbers = #tpu.dot_dimension_numbers<[1], [0], [0], [1], [0, 0, 1, 1], [], []>, precision = #tpu.contract_precision<fp32>, transpose_lhs_hint = false} : vector<256x128xf32>, vector<128x8xf32>, vector<256x8xf32> -> vector<256x8xf32>
    %swap3A_64 = arith.constant 0 : index
    %swap3A_65 = arith.constant 0 : index
    %swap3A_66 = arith.constant 0 : index
    %swap3A_67 = vector.load %arg8[%swap3A_64, %swap3A_65, %swap3A_66] : memref<1x256x8xf32, #tpu.memory_space<vmem>>, vector<1x256x8xf32>
    %swap3A_68 = vector.shape_cast %swap3A_67 : vector<1x256x8xf32> to vector<256x8xf32>
    %swap3A_69 = vector.shape_cast %dot_general3A_63 : vector<256x8xf32> to vector<1x256x8xf32>
    tpu.vector_store %arg8[%swap3A_64, %swap3A_65, %swap3A_66], %swap3A_69 {strides = array<i32>} : memref<1x256x8xf32, #tpu.memory_space<vmem>>, vector<1x256x8xf32>,
    return
  }
  func.func @transform_0(%arg0: i32, %arg1: i32) -> (i32, i32) {
    %c0_i32 = arith.constant 0 : i32
    %c0_i32_0 = arith.constant 0 : i32
    return %arg0, %c0_i32 : i32, i32
  }
  func.func @transform_1(%arg0: i32, %arg1: i32) -> (i32, i32) {
    %c0_i32 = arith.constant 0 : i32
    %c0_i32_0 = arith.constant 0 : i32
    return %c0_i32, %arg1 : i32, i32
  }
  func.func @transform_2(%arg0: i32, %arg1: i32) -> (i32, i32) {
    %c0_i32 = arith.constant 0 : i32
    %c0_i32_0 = arith.constant 0 : i32
    return %arg0, %c0_i32 : i32, i32
  }
  func.func @transform_3(%arg0: i32, %arg1: i32) -> (i32, i32) {
    %c0_i32 = arith.constant 0 : i32
    %c0_i32_0 = arith.constant 0 : i32
    return %arg1, %c0_i32 : i32, i32
  }
  func.func @transform_4(%arg0: i32, %arg1: i32) -> (i32, i32) {
    %c0_i32 = arith.constant 0 : i32
    return %arg0, %arg1 : i32, i32
  }
  func.func @transform_5(%arg0: i32, %arg1: i32) -> (i32, i32, i32) {
    %c0_i32 = arith.constant 0 : i32
    %c0_i32_0 = arith.constant 0 : i32
    return %arg1, %arg0, %c0_i32 : i32, i32, i32
  }
  func.func @transform_6(%arg0: i32, %arg1: i32) -> (i32, i32, i32) {
    %c0_i32 = arith.constant 0 : i32
    %c0_i32_0 = arith.constant 0 : i32
    return %arg1, %arg0, %c0_i32 : i32, i32, i32
  }
}

module attributes {stable_mosaic.version = 14 : i64} {
  func.func @_topk_body(%arg0: i32, %arg1: memref<256x800xf32, #tpu.memory_space<vmem>>, %arg2: memref<256x64xf32, #tpu.memory_space<vmem>>, %arg3: memref<256x64xi32, #tpu.memory_space<vmem>>, %arg4: memref<256x800xf32, #tpu.memory_space<vmem>>) attributes {dimension_semantics = [#tpu.dimension_semantics<parallel>], iteration_bounds = array<i64: 16>, scalar_prefetch = 0 : i64, scratch_operands = 1 : i64, tpu.core_type = #tpu.core_type<tc>, window_params = [{transform_indices = @transform_0, window_bounds = array<i64: 256, 800>}, {transform_indices = @transform_1, window_bounds = array<i64: 256, 64>}, {transform_indices = @transform_2, window_bounds = array<i64: 256, 64>}]} {
    %get3A = arith.constant 0 : index
    %get3A_0 = arith.constant 0 : index
    %get3A_1 = vector.load %arg1[%get3A, %get3A_0] : memref<256x800xf32, #tpu.memory_space<vmem>>, vector<256x800xf32>
    %swap3A = arith.constant 0 : index
    %swap3A_2 = arith.constant 0 : index
    %swap3A_3 = vector.load %arg4[%swap3A, %swap3A_2] : memref<256x800xf32, #tpu.memory_space<vmem>>, vector<256x800xf32>
    tpu.vector_store %arg4[%swap3A, %swap3A_2], %get3A_1 {strides = array<i32>} : memref<256x800xf32, #tpu.memory_space<vmem>>, vector<256x800xf32>,
    %iota3A = tpu.iota {dimensions = array<i32: 1>} : vector<256x800xi32>
    %iota3A_4 = tpu.iota {dimensions = array<i32: 1>} : vector<256x64xi32>
    %broadcast_in_dim3A = arith.constant 0.000000e+00 : f32
    %broadcast_in_dim3A_5 = vector.broadcast %broadcast_in_dim3A : f32 to vector<256x64xf32>
    %broadcast_in_dim3A_6 = arith.constant 0 : i32
    %broadcast_in_dim3A_7 = vector.broadcast %broadcast_in_dim3A_6 : i32 to vector<256x64xi32>
    %scan3A = arith.constant 0 : i32
    %scan3A_8 = arith.constant 64 : i32
    %scan3A_9 = arith.addi %scan3A, %scan3A_8 : i32
    %scan3A_10 = arith.constant 1 : i32
    %scan3A_11:2 = scf.for %scan3A_19 = %scan3A to %scan3A_9 step %scan3A_10 iter_args(%scan3A_20 = %broadcast_in_dim3A_5, %scan3A_21 = %broadcast_in_dim3A_7) -> (vector<256x64xf32>, vector<256x64xi32>)  : i32 {
      %get3A_22 = arith.constant 0 : index
      %get3A_23 = arith.constant 0 : index
      %get3A_24 = vector.load %arg4[%get3A_22, %get3A_23] : memref<256x800xf32, #tpu.memory_space<vmem>>, vector<256x800xf32>
      %reduce_max3A = arith.constant dense<0xFF800000> : vector<256xf32>
      %reduce_max3A_25 = vector.multi_reduction <maximumf>, %get3A_24, %reduce_max3A [1] : vector<256x800xf32> to vector<256xf32>
      %broadcast_in_dim3A_26 = vector.shape_cast %reduce_max3A_25 : vector<256xf32> to vector<256x1xf32>
      %eq3A = vector.broadcast %broadcast_in_dim3A_26 : vector<256x1xf32> to vector<256x800xf32>
      %eq3A_27 = arith.cmpf oeq, %get3A_24, %eq3A : vector<256x800xf32>
      %jit3A = arith.constant 800 : i32
      %broadcast_in_dim3A_28 = vector.broadcast %jit3A : i32 to vector<256x800xi32>
      %select_n3A = arith.select %eq3A_27, %iota3A, %broadcast_in_dim3A_28 : vector<256x800xi1>, vector<256x800xi32>
      %reduce_min3A = arith.constant dense<2147483647> : vector<256xi32>
      %reduce_min3A_29 = vector.multi_reduction <minsi>, %select_n3A, %reduce_min3A [1] : vector<256x800xi32> to vector<256xi32>
      %broadcast_in_dim3A_30 = vector.shape_cast %reduce_min3A_29 : vector<256xi32> to vector<256x1xi32>
      %eq3A_31 = vector.broadcast %broadcast_in_dim3A_30 : vector<256x1xi32> to vector<256x800xi32>
      %eq3A_32 = arith.cmpi eq, %iota3A, %eq3A_31 : vector<256x800xi32>
      %jit3A_33 = arith.constant 0xFF800000 : f32
      %broadcast_in_dim3A_34 = vector.broadcast %jit3A_33 : f32 to vector<256x800xf32>
      %select_n3A_35 = arith.select %eq3A_32, %broadcast_in_dim3A_34, %get3A_24 : vector<256x800xi1>, vector<256x800xf32>
      %swap3A_36 = arith.constant 0 : index
      %swap3A_37 = arith.constant 0 : index
      %swap3A_38 = vector.load %arg4[%swap3A_36, %swap3A_37] : memref<256x800xf32, #tpu.memory_space<vmem>>, vector<256x800xf32>
      tpu.vector_store %arg4[%swap3A_36, %swap3A_37], %select_n3A_35 {strides = array<i32>} : memref<256x800xf32, #tpu.memory_space<vmem>>, vector<256x800xf32>,
      %eq3A_39 = vector.broadcast %scan3A_19 : i32 to vector<256x64xi32>
      %eq3A_40 = arith.cmpi eq, %iota3A_4, %eq3A_39 : vector<256x64xi32>
      %broadcast_in_dim3A_41 = vector.shape_cast %broadcast_in_dim3A_26 : vector<256x1xf32> to vector<256x1xf32>
      %broadcast_in_dim3A_42 = vector.broadcast %broadcast_in_dim3A_41 : vector<256x1xf32> to vector<256x64xf32>
      %select_n3A_43 = arith.select %eq3A_40, %broadcast_in_dim3A_42, %scan3A_20 : vector<256x64xi1>, vector<256x64xf32>
      %eq3A_44 = vector.broadcast %scan3A_19 : i32 to vector<256x64xi32>
      %eq3A_45 = arith.cmpi eq, %iota3A_4, %eq3A_44 : vector<256x64xi32>
      %broadcast_in_dim3A_46 = vector.shape_cast %broadcast_in_dim3A_30 : vector<256x1xi32> to vector<256x1xi32>
      %broadcast_in_dim3A_47 = vector.broadcast %broadcast_in_dim3A_46 : vector<256x1xi32> to vector<256x64xi32>
      %select_n3A_48 = arith.select %eq3A_45, %broadcast_in_dim3A_47, %scan3A_21 : vector<256x64xi1>, vector<256x64xi32>
      scf.yield %select_n3A_43, %select_n3A_48 : vector<256x64xf32>, vector<256x64xi32>
    }
    %scan3A_12 = arith.constant 64 : i32
    %swap3A_13 = arith.constant 0 : index
    %swap3A_14 = arith.constant 0 : index
    %swap3A_15 = vector.load %arg2[%swap3A_13, %swap3A_14] : memref<256x64xf32, #tpu.memory_space<vmem>>, vector<256x64xf32>
    tpu.vector_store %arg2[%swap3A_13, %swap3A_14], %scan3A_11#0 {strides = array<i32>} : memref<256x64xf32, #tpu.memory_space<vmem>>, vector<256x64xf32>,
    %swap3A_16 = arith.constant 0 : index
    %swap3A_17 = arith.constant 0 : index
    %swap3A_18 = vector.load %arg3[%swap3A_16, %swap3A_17] : memref<256x64xi32, #tpu.memory_space<vmem>>, vector<256x64xi32>
    tpu.vector_store %arg3[%swap3A_16, %swap3A_17], %scan3A_11#1 {strides = array<i32>} : memref<256x64xi32, #tpu.memory_space<vmem>>, vector<256x64xi32>,
    return
  }
  func.func @transform_0(%arg0: i32) -> (i32, i32) {
    %c0_i32 = arith.constant 0 : i32
    %c0_i32_0 = arith.constant 0 : i32
    return %arg0, %c0_i32 : i32, i32
  }
  func.func @transform_1(%arg0: i32) -> (i32, i32) {
    %c0_i32 = arith.constant 0 : i32
    %c0_i32_0 = arith.constant 0 : i32
    return %arg0, %c0_i32 : i32, i32
  }
  func.func @transform_2(%arg0: i32) -> (i32, i32) {
    %c0_i32 = arith.constant 0 : i32
    %c0_i32_0 = arith.constant 0 : i32
    return %arg0, %c0_i32 : i32, i32
  }
}

module attributes {stable_mosaic.version = 14 : i64} {
  func.func @_topk_body(%arg0: i32, %arg1: memref<256x1024xf32, #tpu.memory_space<vmem>>, %arg2: memref<256x64xf32, #tpu.memory_space<vmem>>, %arg3: memref<256x64xi32, #tpu.memory_space<vmem>>, %arg4: memref<256x1024xf32, #tpu.memory_space<vmem>>) attributes {dimension_semantics = [#tpu.dimension_semantics<parallel>], iteration_bounds = array<i64: 16>, scalar_prefetch = 0 : i64, scratch_operands = 1 : i64, tpu.core_type = #tpu.core_type<tc>, window_params = [{transform_indices = @transform_0, window_bounds = array<i64: 256, 1024>}, {transform_indices = @transform_1, window_bounds = array<i64: 256, 64>}, {transform_indices = @transform_2, window_bounds = array<i64: 256, 64>}]} {
    %get3A = arith.constant 0 : index
    %get3A_0 = arith.constant 0 : index
    %get3A_1 = vector.load %arg1[%get3A, %get3A_0] : memref<256x1024xf32, #tpu.memory_space<vmem>>, vector<256x1024xf32>
    %swap3A = arith.constant 0 : index
    %swap3A_2 = arith.constant 0 : index
    %swap3A_3 = vector.load %arg4[%swap3A, %swap3A_2] : memref<256x1024xf32, #tpu.memory_space<vmem>>, vector<256x1024xf32>
    tpu.vector_store %arg4[%swap3A, %swap3A_2], %get3A_1 {strides = array<i32>} : memref<256x1024xf32, #tpu.memory_space<vmem>>, vector<256x1024xf32>,
    %iota3A = tpu.iota {dimensions = array<i32: 1>} : vector<256x1024xi32>
    %iota3A_4 = tpu.iota {dimensions = array<i32: 1>} : vector<256x64xi32>
    %broadcast_in_dim3A = arith.constant 0.000000e+00 : f32
    %broadcast_in_dim3A_5 = vector.broadcast %broadcast_in_dim3A : f32 to vector<256x64xf32>
    %broadcast_in_dim3A_6 = arith.constant 0 : i32
    %broadcast_in_dim3A_7 = vector.broadcast %broadcast_in_dim3A_6 : i32 to vector<256x64xi32>
    %scan3A = arith.constant 0 : i32
    %scan3A_8 = arith.constant 64 : i32
    %scan3A_9 = arith.addi %scan3A, %scan3A_8 : i32
    %scan3A_10 = arith.constant 1 : i32
    %scan3A_11:2 = scf.for %scan3A_19 = %scan3A to %scan3A_9 step %scan3A_10 iter_args(%scan3A_20 = %broadcast_in_dim3A_5, %scan3A_21 = %broadcast_in_dim3A_7) -> (vector<256x64xf32>, vector<256x64xi32>)  : i32 {
      %get3A_22 = arith.constant 0 : index
      %get3A_23 = arith.constant 0 : index
      %get3A_24 = vector.load %arg4[%get3A_22, %get3A_23] : memref<256x1024xf32, #tpu.memory_space<vmem>>, vector<256x1024xf32>
      %reduce_max3A = arith.constant dense<0xFF800000> : vector<256xf32>
      %reduce_max3A_25 = vector.multi_reduction <maximumf>, %get3A_24, %reduce_max3A [1] : vector<256x1024xf32> to vector<256xf32>
      %broadcast_in_dim3A_26 = vector.shape_cast %reduce_max3A_25 : vector<256xf32> to vector<256x1xf32>
      %eq3A = vector.broadcast %broadcast_in_dim3A_26 : vector<256x1xf32> to vector<256x1024xf32>
      %eq3A_27 = arith.cmpf oeq, %get3A_24, %eq3A : vector<256x1024xf32>
      %jit3A = arith.constant 1024 : i32
      %broadcast_in_dim3A_28 = vector.broadcast %jit3A : i32 to vector<256x1024xi32>
      %select_n3A = arith.select %eq3A_27, %iota3A, %broadcast_in_dim3A_28 : vector<256x1024xi1>, vector<256x1024xi32>
      %reduce_min3A = arith.constant dense<2147483647> : vector<256xi32>
      %reduce_min3A_29 = vector.multi_reduction <minsi>, %select_n3A, %reduce_min3A [1] : vector<256x1024xi32> to vector<256xi32>
      %broadcast_in_dim3A_30 = vector.shape_cast %reduce_min3A_29 : vector<256xi32> to vector<256x1xi32>
      %eq3A_31 = vector.broadcast %broadcast_in_dim3A_30 : vector<256x1xi32> to vector<256x1024xi32>
      %eq3A_32 = arith.cmpi eq, %iota3A, %eq3A_31 : vector<256x1024xi32>
      %jit3A_33 = arith.constant 0xFF800000 : f32
      %broadcast_in_dim3A_34 = vector.broadcast %jit3A_33 : f32 to vector<256x1024xf32>
      %select_n3A_35 = arith.select %eq3A_32, %broadcast_in_dim3A_34, %get3A_24 : vector<256x1024xi1>, vector<256x1024xf32>
      %swap3A_36 = arith.constant 0 : index
      %swap3A_37 = arith.constant 0 : index
      %swap3A_38 = vector.load %arg4[%swap3A_36, %swap3A_37] : memref<256x1024xf32, #tpu.memory_space<vmem>>, vector<256x1024xf32>
      tpu.vector_store %arg4[%swap3A_36, %swap3A_37], %select_n3A_35 {strides = array<i32>} : memref<256x1024xf32, #tpu.memory_space<vmem>>, vector<256x1024xf32>,
      %eq3A_39 = vector.broadcast %scan3A_19 : i32 to vector<256x64xi32>
      %eq3A_40 = arith.cmpi eq, %iota3A_4, %eq3A_39 : vector<256x64xi32>
      %broadcast_in_dim3A_41 = vector.shape_cast %broadcast_in_dim3A_26 : vector<256x1xf32> to vector<256x1xf32>
      %broadcast_in_dim3A_42 = vector.broadcast %broadcast_in_dim3A_41 : vector<256x1xf32> to vector<256x64xf32>
      %select_n3A_43 = arith.select %eq3A_40, %broadcast_in_dim3A_42, %scan3A_20 : vector<256x64xi1>, vector<256x64xf32>
      %eq3A_44 = vector.broadcast %scan3A_19 : i32 to vector<256x64xi32>
      %eq3A_45 = arith.cmpi eq, %iota3A_4, %eq3A_44 : vector<256x64xi32>
      %broadcast_in_dim3A_46 = vector.shape_cast %broadcast_in_dim3A_30 : vector<256x1xi32> to vector<256x1xi32>
      %broadcast_in_dim3A_47 = vector.broadcast %broadcast_in_dim3A_46 : vector<256x1xi32> to vector<256x64xi32>
      %select_n3A_48 = arith.select %eq3A_45, %broadcast_in_dim3A_47, %scan3A_21 : vector<256x64xi1>, vector<256x64xi32>
      scf.yield %select_n3A_43, %select_n3A_48 : vector<256x64xf32>, vector<256x64xi32>
    }
    %scan3A_12 = arith.constant 64 : i32
    %swap3A_13 = arith.constant 0 : index
    %swap3A_14 = arith.constant 0 : index
    %swap3A_15 = vector.load %arg2[%swap3A_13, %swap3A_14] : memref<256x64xf32, #tpu.memory_space<vmem>>, vector<256x64xf32>
    tpu.vector_store %arg2[%swap3A_13, %swap3A_14], %scan3A_11#0 {strides = array<i32>} : memref<256x64xf32, #tpu.memory_space<vmem>>, vector<256x64xf32>,
    %swap3A_16 = arith.constant 0 : index
    %swap3A_17 = arith.constant 0 : index
    %swap3A_18 = vector.load %arg3[%swap3A_16, %swap3A_17] : memref<256x64xi32, #tpu.memory_space<vmem>>, vector<256x64xi32>
    tpu.vector_store %arg3[%swap3A_16, %swap3A_17], %scan3A_11#1 {strides = array<i32>} : memref<256x64xi32, #tpu.memory_space<vmem>>, vector<256x64xi32>,
    return
  }
  func.func @transform_0(%arg0: i32) -> (i32, i32) {
    %c0_i32 = arith.constant 0 : i32
    %c0_i32_0 = arith.constant 0 : i32
    return %arg0, %c0_i32 : i32, i32
  }
  func.func @transform_1(%arg0: i32) -> (i32, i32) {
    %c0_i32 = arith.constant 0 : i32
    %c0_i32_0 = arith.constant 0 : i32
    return %arg0, %c0_i32 : i32, i32
  }
  func.func @transform_2(%arg0: i32) -> (i32, i32) {
    %c0_i32 = arith.constant 0 : i32
    %c0_i32_0 = arith.constant 0 : i32
    return %arg0, %c0_i32 : i32, i32
  }
}

module attributes {stable_mosaic.version = 14 : i64} {
  func.func @_topk_idx_body(%arg0: i32, %arg1: memref<256x512xf32, #tpu.memory_space<vmem>>, %arg2: memref<256x512xi32, #tpu.memory_space<vmem>>, %arg3: memref<256x64xf32, #tpu.memory_space<vmem>>, %arg4: memref<256x64xi32, #tpu.memory_space<vmem>>, %arg5: memref<256x512xf32, #tpu.memory_space<vmem>>) attributes {dimension_semantics = [#tpu.dimension_semantics<parallel>], iteration_bounds = array<i64: 16>, scalar_prefetch = 0 : i64, scratch_operands = 1 : i64, tpu.core_type = #tpu.core_type<tc>, window_params = [{transform_indices = @transform_0, window_bounds = array<i64: 256, 512>}, {transform_indices = @transform_1, window_bounds = array<i64: 256, 512>}, {transform_indices = @transform_2, window_bounds = array<i64: 256, 64>}, {transform_indices = @transform_3, window_bounds = array<i64: 256, 64>}]} {
    %get3A = arith.constant 0 : index
    %get3A_0 = arith.constant 0 : index
    %get3A_1 = vector.load %arg1[%get3A, %get3A_0] : memref<256x512xf32, #tpu.memory_space<vmem>>, vector<256x512xf32>
    %swap3A = arith.constant 0 : index
    %swap3A_2 = arith.constant 0 : index
    %swap3A_3 = vector.load %arg5[%swap3A, %swap3A_2] : memref<256x512xf32, #tpu.memory_space<vmem>>, vector<256x512xf32>
    tpu.vector_store %arg5[%swap3A, %swap3A_2], %get3A_1 {strides = array<i32>} : memref<256x512xf32, #tpu.memory_space<vmem>>, vector<256x512xf32>,
    %get3A_4 = arith.constant 0 : index
    %get3A_5 = arith.constant 0 : index
    %get3A_6 = vector.load %arg2[%get3A_4, %get3A_5] : memref<256x512xi32, #tpu.memory_space<vmem>>, vector<256x512xi32>
    %iota3A = tpu.iota {dimensions = array<i32: 1>} : vector<256x64xi32>
    %broadcast_in_dim3A = arith.constant 0.000000e+00 : f32
    %broadcast_in_dim3A_7 = vector.broadcast %broadcast_in_dim3A : f32 to vector<256x64xf32>
    %broadcast_in_dim3A_8 = arith.constant 0 : i32
    %broadcast_in_dim3A_9 = vector.broadcast %broadcast_in_dim3A_8 : i32 to vector<256x64xi32>
    %scan3A = arith.constant 0 : i32
    %scan3A_10 = arith.constant 64 : i32
    %scan3A_11 = arith.addi %scan3A, %scan3A_10 : i32
    %scan3A_12 = arith.constant 1 : i32
    %scan3A_13:2 = scf.for %scan3A_21 = %scan3A to %scan3A_11 step %scan3A_12 iter_args(%scan3A_22 = %broadcast_in_dim3A_7, %scan3A_23 = %broadcast_in_dim3A_9) -> (vector<256x64xf32>, vector<256x64xi32>)  : i32 {
      %get3A_24 = arith.constant 0 : index
      %get3A_25 = arith.constant 0 : index
      %get3A_26 = vector.load %arg5[%get3A_24, %get3A_25] : memref<256x512xf32, #tpu.memory_space<vmem>>, vector<256x512xf32>
      %reduce_max3A = arith.constant dense<0xFF800000> : vector<256xf32>
      %reduce_max3A_27 = vector.multi_reduction <maximumf>, %get3A_26, %reduce_max3A [1] : vector<256x512xf32> to vector<256xf32>
      %broadcast_in_dim3A_28 = vector.shape_cast %reduce_max3A_27 : vector<256xf32> to vector<256x1xf32>
      %eq3A = vector.broadcast %broadcast_in_dim3A_28 : vector<256x1xf32> to vector<256x512xf32>
      %eq3A_29 = arith.cmpf oeq, %get3A_26, %eq3A : vector<256x512xf32>
      %jit3A = arith.constant 2147483647 : i32
      %broadcast_in_dim3A_30 = vector.broadcast %jit3A : i32 to vector<256x512xi32>
      %select_n3A = arith.select %eq3A_29, %get3A_6, %broadcast_in_dim3A_30 : vector<256x512xi1>, vector<256x512xi32>
      %reduce_min3A = arith.constant dense<2147483647> : vector<256xi32>
      %reduce_min3A_31 = vector.multi_reduction <minsi>, %select_n3A, %reduce_min3A [1] : vector<256x512xi32> to vector<256xi32>
      %broadcast_in_dim3A_32 = vector.shape_cast %reduce_min3A_31 : vector<256xi32> to vector<256x1xi32>
      %eq3A_33 = vector.broadcast %broadcast_in_dim3A_32 : vector<256x1xi32> to vector<256x512xi32>
      %eq3A_34 = arith.cmpi eq, %get3A_6, %eq3A_33 : vector<256x512xi32>
      %jit3A_35 = arith.constant 0xFF800000 : f32
      %broadcast_in_dim3A_36 = vector.broadcast %jit3A_35 : f32 to vector<256x512xf32>
      %select_n3A_37 = arith.select %eq3A_34, %broadcast_in_dim3A_36, %get3A_26 : vector<256x512xi1>, vector<256x512xf32>
      %swap3A_38 = arith.constant 0 : index
      %swap3A_39 = arith.constant 0 : index
      %swap3A_40 = vector.load %arg5[%swap3A_38, %swap3A_39] : memref<256x512xf32, #tpu.memory_space<vmem>>, vector<256x512xf32>
      tpu.vector_store %arg5[%swap3A_38, %swap3A_39], %select_n3A_37 {strides = array<i32>} : memref<256x512xf32, #tpu.memory_space<vmem>>, vector<256x512xf32>,
      %eq3A_41 = vector.broadcast %scan3A_21 : i32 to vector<256x64xi32>
      %eq3A_42 = arith.cmpi eq, %iota3A, %eq3A_41 : vector<256x64xi32>
      %broadcast_in_dim3A_43 = vector.shape_cast %broadcast_in_dim3A_28 : vector<256x1xf32> to vector<256x1xf32>
      %broadcast_in_dim3A_44 = vector.broadcast %broadcast_in_dim3A_43 : vector<256x1xf32> to vector<256x64xf32>
      %select_n3A_45 = arith.select %eq3A_42, %broadcast_in_dim3A_44, %scan3A_22 : vector<256x64xi1>, vector<256x64xf32>
      %eq3A_46 = vector.broadcast %scan3A_21 : i32 to vector<256x64xi32>
      %eq3A_47 = arith.cmpi eq, %iota3A, %eq3A_46 : vector<256x64xi32>
      %broadcast_in_dim3A_48 = vector.shape_cast %broadcast_in_dim3A_32 : vector<256x1xi32> to vector<256x1xi32>
      %broadcast_in_dim3A_49 = vector.broadcast %broadcast_in_dim3A_48 : vector<256x1xi32> to vector<256x64xi32>
      %select_n3A_50 = arith.select %eq3A_47, %broadcast_in_dim3A_49, %scan3A_23 : vector<256x64xi1>, vector<256x64xi32>
      scf.yield %select_n3A_45, %select_n3A_50 : vector<256x64xf32>, vector<256x64xi32>
    }
    %scan3A_14 = arith.constant 64 : i32
    %swap3A_15 = arith.constant 0 : index
    %swap3A_16 = arith.constant 0 : index
    %swap3A_17 = vector.load %arg3[%swap3A_15, %swap3A_16] : memref<256x64xf32, #tpu.memory_space<vmem>>, vector<256x64xf32>
    tpu.vector_store %arg3[%swap3A_15, %swap3A_16], %scan3A_13#0 {strides = array<i32>} : memref<256x64xf32, #tpu.memory_space<vmem>>, vector<256x64xf32>,
    %swap3A_18 = arith.constant 0 : index
    %swap3A_19 = arith.constant 0 : index
    %swap3A_20 = vector.load %arg4[%swap3A_18, %swap3A_19] : memref<256x64xi32, #tpu.memory_space<vmem>>, vector<256x64xi32>
    tpu.vector_store %arg4[%swap3A_18, %swap3A_19], %scan3A_13#1 {strides = array<i32>} : memref<256x64xi32, #tpu.memory_space<vmem>>, vector<256x64xi32>,
    return
  }
  func.func @transform_0(%arg0: i32) -> (i32, i32) {
    %c0_i32 = arith.constant 0 : i32
    %c0_i32_0 = arith.constant 0 : i32
    return %arg0, %c0_i32 : i32, i32
  }
  func.func @transform_1(%arg0: i32) -> (i32, i32) {
    %c0_i32 = arith.constant 0 : i32
    %c0_i32_0 = arith.constant 0 : i32
    return %arg0, %c0_i32 : i32, i32
  }
  func.func @transform_2(%arg0: i32) -> (i32, i32) {
    %c0_i32 = arith.constant 0 : i32
    %c0_i32_0 = arith.constant 0 : i32
    return %arg0, %c0_i32 : i32, i32
  }
  func.func @transform_3(%arg0: i32) -> (i32, i32) {
    %c0_i32 = arith.constant 0 : i32
    %c0_i32_0 = arith.constant 0 : i32
    return %arg0, %c0_i32 : i32, i32
  }
}

module attributes {stable_mosaic.version = 14 : i64} {
  func.func @_scale_body(%arg0: i32, %arg1: memref<2048x128xf32, #tpu.memory_space<vmem>>, %arg2: memref<2048x1xf32, #tpu.memory_space<vmem>>, %arg3: memref<2048x128xf32, #tpu.memory_space<vmem>>) attributes {dimension_semantics = [#tpu.dimension_semantics<parallel>], iteration_bounds = array<i64: 128>, scalar_prefetch = 0 : i64, scratch_operands = 0 : i64, tpu.core_type = #tpu.core_type<tc>, window_params = [{transform_indices = @transform_0, window_bounds = array<i64: 2048, 128>}, {transform_indices = @transform_1, window_bounds = array<i64: 2048, 1>}, {transform_indices = @transform_2, window_bounds = array<i64: 2048, 128>}]} {
    %get3A = arith.constant 0 : index
    %get3A_0 = arith.constant 0 : index
    %get3A_1 = vector.load %arg1[%get3A, %get3A_0] : memref<2048x128xf32, #tpu.memory_space<vmem>>, vector<2048x128xf32>
    %get3A_2 = arith.constant 0 : index
    %get3A_3 = arith.constant 0 : index
    %get3A_4 = vector.load %arg2[%get3A_2, %get3A_3] : memref<2048x1xf32, #tpu.memory_space<vmem>>, vector<2048x1xf32>
    %mul3A = vector.broadcast %get3A_4 : vector<2048x1xf32> to vector<2048x128xf32>
    %mul3A_5 = arith.mulf %get3A_1, %mul3A : vector<2048x128xf32>
    %swap3A = arith.constant 0 : index
    %swap3A_6 = arith.constant 0 : index
    %swap3A_7 = vector.load %arg3[%swap3A, %swap3A_6] : memref<2048x128xf32, #tpu.memory_space<vmem>>, vector<2048x128xf32>
    tpu.vector_store %arg3[%swap3A, %swap3A_6], %mul3A_5 {strides = array<i32>} : memref<2048x128xf32, #tpu.memory_space<vmem>>, vector<2048x128xf32>,
    return
  }
  func.func @transform_0(%arg0: i32) -> (i32, i32) {
    %c0_i32 = arith.constant 0 : i32
    %c0_i32_0 = arith.constant 0 : i32
    return %arg0, %c0_i32 : i32, i32
  }
  func.func @transform_1(%arg0: i32) -> (i32, i32) {
    %c0_i32 = arith.constant 0 : i32
    %c0_i32_0 = arith.constant 0 : i32
    return %arg0, %c0_i32 : i32, i32
  }
  func.func @transform_2(%arg0: i32) -> (i32, i32) {
    %c0_i32 = arith.constant 0 : i32
    %c0_i32_0 = arith.constant 0 : i32
    return %arg0, %c0_i32 : i32, i32
  }
}

</mosaic_0001>

<sc_bundles>
// kernel: gather_offload_async_start.1
scs
__scs_entry_jumppad:
0x0: {  	(pc) =	sbr.rel $0x88, $3  }
0x1: {  	(tag) =	ssettag $0x0;
	lr =	simm.s32 $0x1  }
0x2: {  	[smem:$0x3F9E] =	sst lr;
	_ =	strace $0xD0000000  }
0x3: {  	_ = 	snop  }
0x4: {  	_ = 	snop  }
0x5: {  	_ = 	snop  }
0x6: {  	_ = 	snop  }
0x7: {  	_ = 	snop  }
__scs_overlays_trampoline_lowered:
0x8: {  	[smem:$0x3FAD] =	sst s0  }
0x9: {  	[smem:$0x3FAE] =	sst s1  }
0xa: {  	[smem:$0x3FAF] =	sst s2  }
0xb: {  	[smem:$0x3FB0] =	sst s3  }
0xc: {  	[smem:$0x3FB1] =	sst s4  }
0xd: {  	[smem:$0x3FB2] =	sst s5  }
0xe: {  	[smem:$0x3FB3] =	sst s6  }
0xf: {  	[smem:$0x3FB4] =	sst s7  }
0x10: {  	[smem:$0x3FB5] =	sst s8  }
0x11: {  	[smem:$0x3FB6] =	sst s9;
	s0 =	simm.s32 @!p0 $0x0  }
0x12: {  	s1 =	sld [smem:$0x3F9C];
	s0 =	simm.s32 @p0 $0x1  }
0x13: {  	[smem:$0x3FB7] =	sst s0;
	s0 =	simm.s32 @!p1 $0x0  }
0x14: {  	s2 =	sld [smem:$0x3F9B];
	s0 =	simm.s32 @p1 $0x1  }
0x15: {  	[smem:$0x3FB8] =	sst s0;
	s0 =	simm.s32 @!p2 $0x0  }
0x16: {  	s3 =	sld [smem:$0x3FDB];
	s0 =	simm.s32 @p2 $0x1  }
0x17: {  	s4 =	simm.s32 $0x1BF5;
	[smem:$0x3FBA] =	sst s0  }
0x18: {  	s0 =	sld [smem:$0x3F9D];
	_ =	swait.ge [sflag:s4], $0x0  }
0x19: {  	s7 =	sld [smem:$0x3F9E]  }
0x1a: {  	s8 =	sadd.s32 $0xFFFFE003, lr  }
0x1b: {  	s9 =	sadd.s32 $0xFFFFFEF7, lr;
	s5 =	simm.s32 $0xFFFFFFFF;
	p2 =	slt.u32 s8, $0xFFFFF086  }
0x1c: {  	p1 =	slt.u32 s9, $0xF7A;
	s5 =	simm.s32 @!p2 $0x0  }
0x1d: {  	s5 =	simm.s32 @p1 $0x1;
	p0 =	seq.s32 s7, s2  }
0x1e: {  	s7 =	smul.u32 @!p0 $0xF7A, s2;
	p2 =	seq.s32 @!p0 s5, $0x0  }
0x1f: {  	s9 =	smul.u32 $0xF7A, s1;
	s8 =	simm.s32 @!p0 $0x1BF5;
	p2 =	por !p2, p0  }
0x20: {  	[sflag:s8] =	ssyncset.s32 @!p0 $0xFFFFF086;
	s6 =	sadd.s32 @!p0 s3, s7;
	s7 =	simm.s32 @!p0 $0x108  }
0x21: {  	s3 =	sadd.s32 s3, s9;
	s6 =	sadd.s32 @!p0 $0x88, s6;
	s7 =	simm.s32 @p2 $0x1082  }
0x22: {  	[simem:s7], [sflag:s8] =	dma.local @!p0 [hbm:s6], $0xF7A  }
0x23: {  	s9 =	sor.u32 $0xD0000000, s2;
	s6 =	simm.s32 $0x108;
	_ =	swait.ge @!p0 [sflag:s8], $0x0  }
0x24: {  	s3 =	sadd.s32 $0x88, s3;
	s6 =	simm.s32 @!p1 $0x1082;
	[sflag:s4] =	ssyncset.s32 $0xFFFFF086  }
0x25: {  	[simem:s6], [sflag:s4] =	dma.local [hbm:s3], $0xF7A  }
0x26: {  	[smem:$0x3F9E] =	sst s1;
	(tag) =	ssettag s2;
	_ =	strace s9  }
0x27: {  	s1 =	sld [smem:$0x3FAE]  }
0x28: {  	s2 =	sld [smem:$0x3FAF]  }
0x29: {  	s4 =	sld [smem:$0x3FB1]  }
0x2a: {  	p0 =	seq.s32 s5, $0x0;
	s5 =	sld [smem:$0x3FB2]  }
0x2b: {  	s6 =	sld [smem:$0x3FB3]  }
0x2c: {  	s7 =	sld [smem:$0x3FB4]  }
0x2d: {  	s3 =	simm.s32 $0x108;
	s8 =	sld [smem:$0x3FB5]  }
0x2e: {  	s3 =	simm.s32 @!p0 $0x1082;
	s9 =	sld [smem:$0x3FB6]  }
0x2f: {  	lr =	sadd.s32 s0, s3;
	s0 =	sld [smem:$0x3FAD]  }
0x30: {  	s3 =	sld [smem:$0x3FB0]  }
0x31: {  	[smem:$0x3FB9] =	sst s10  }
0x32: {  	s10 =	sld [smem:$0x3FB7];
	_ =	sdelay $0x3  }
0x33: {  	p0 =	seq.s32 s10, $0x1;
	s10 =	sld [smem:$0x3FB9];
	_ =	sdelay $0x3  }
0x34: {  	[smem:$0x3FB9] =	sst s10  }
0x35: {  	s10 =	sld [smem:$0x3FB8];
	_ =	sdelay $0x3  }
0x36: {  	p1 =	seq.s32 s10, $0x1;
	s10 =	sld [smem:$0x3FB9];
	_ =	sdelay $0x3  }
0x37: {  	[smem:$0x3FB9] =	sst s10  }
0x38: {  	s10 =	sld [smem:$0x3FBA]  }
0x39: {  	_ = 	snop;
	(pc) =	sbr.ind lr, $3  }
0x3a: {  	_ = 	snop  }
0x3b: {  	_ = 	snop  }
0x3c: {  	p2 =	seq.s32 s10, $0x1;
	s10 =	sld [smem:$0x3FB9]  }
0x3d: {  	_ =	shalt  }
0x3e: {  	_ =	shalt  }
0x3f: {  	_ =	shalt  }
0x40: {  	_ =	shalt  }
0x41: {  	_ =	shalt  }
0x42: {  	_ =	shalt  }
0x43: {  	_ =	shalt  }
0x44: {  	_ =	shalt  }
0x45: {  	_ =	shalt  }
0x46: {  	_ =	shalt  }
0x47: {  	_ =	shalt  }
0x48: {  	_ =	shalt  }
0x49: {  	_ =	shalt  }
0x4a: {  	_ =	shalt  }
0x4b: {  	_ =	shalt  }
0x4c: {  	_ =	shalt  }
0x4d: {  	_ =	shalt  }
0x4e: {  	_ =	shalt  }
0x4f: {  	_ =	shalt  }
0x50: {  	_ =	shalt  }
0x51: {  	_ =	shalt  }
0x52: {  	_ =	shalt  }
0x53: {  	_ =	shalt  }
0x54: {  	_ =	shalt  }
0x55: {  	_ =	shalt  }
0x56: {  	_ =	shalt  }
0x57: {  	_ =	shalt  }
0x58: {  	_ =	shalt  }
0x59: {  	_ =	shalt  }
0x5a: {  	_ =	shalt  }
0x5b: {  	_ =	shalt  }
0x5c: {  	_ =	shalt  }
0x5d: {  	_ =	shalt  }
0x5e: {  	_ =	shalt  }
0x5f: {  	_ =	shalt  }
0x60: {  	_ =	shalt  }
0x61: {  	_ =	shalt  }
0x62: {  	_ =	shalt  }
0x63: {  	_ =	shalt  }
0x64: {  	_ =	shalt  }
0x65: {  	_ =	shalt  }
0x66: {  	_ =	shalt  }
0x67: {  	_ =	shalt  }
0x68: {  	_ =	shalt  }
0x69: {  	_ =	shalt  }
0x6a: {  	_ =	shalt  }
0x6b: {  	_ =	shalt  }
0x6c: {  	_ =	shalt  }
0x6d: {  	_ =	shalt  }
0x6e: {  	_ =	shalt  }
0x6f: {  	_ =	shalt  }
0x70: {  	_ =	shalt  }
0x71: {  	_ =	shalt  }
0x72: {  	_ =	shalt  }
0x73: {  	_ =	shalt  }
0x74: {  	_ =	shalt  }
0x75: {  	_ =	shalt  }
0x76: {  	_ =	shalt  }
0x77: {  	_ =	shalt  }
0x78: {  	_ =	shalt  }
0x79: {  	_ =	shalt  }
0x7a: {  	_ =	shalt  }
0x7b: {  	_ =	shalt  }
0x7c: {  	_ =	shalt  }
0x7d: {  	_ =	shalt  }
0x7e: {  	_ =	shalt  }
0x7f: {  	_ =	shalt  }
0x80: {  	_ =	shalt  }
0x81: {  	_ =	shalt  }
0x82: {  	_ =	shalt  }
0x83: {  	_ =	shalt  }
0x84: {  	_ =	shalt  }
0x85: {  	_ =	shalt  }
0x86: {  	_ =	shalt  }
0x87: {  	_ =	shalt  }
.Lfunc_end0:
.L_simem_size_0:
called_computation.2_lowered:
.L_overlay_start_0:
0x88: {  	s2 =	sld [smem:$0x3FD9]  }
0x89: {  	s3 =	sld [smem:$0x3FFE];
	_ =	sdelay $0x1  }
0x8a: {  	s1 =	srdreg.scid  }
0x8b: {  	s0 =	sand.u32 $0x1, s1  }
0x8c: {  	s17 =	sshll.u32 s0, $0xA;
	s2 =	sadd.s32 s3, s2  }
0x8d: {  	s2 =	sadd.s32 s2, s17  }
0x8e: {  	[smem:$0x3FC5] =	sst s2  }
0x8f: {  	_ = 	snop  }
0x90: {  	s2 =	sld [smem:$0x3FD0];
	(tm) =	ssettm $0x1  }
0x91: {  	s18 =	sld [smem:$0x3FFB];
	_ =	sdelay $0x3  }
0x92: {  	_ =	strace s18  }
0x93: {  	s3 =	sld [smem:$0x3FFC];
	_ =	sdelay $0x3  }
0x94: {  	_ =	strace s3  }
0x95: {  	s3 =	sld [smem:$0x3FFD];
	_ =	sdelay $0x3  }
0x96: {  	_ =	strace s3  }
0x97: {  	_ =	strace $0x8FFFFFFF  }
0x98: {  	s19 =	sld [smem:$0x3FDB];
	_ =	sdelay $0x1  }
0x99: {  	s4 =	simm.s32 $_scs_section_size  }
0x9a: {  	s5 =	simm.s32 $_size__tile_overlayer_lowered;
	s6 =	simm.s32 $_tile_overlayer_lowered  }
0x9b: {  	s22 =	simm.s32 $0x1BFF;
	s21 =	sshll.u32 s6, $0x1;
	s3 =	sadd.s32 s4, s19  }
0x9c: {  	s7 =	simm.s32 $0x0;
	s20 =	sshll.u32 s5, $0x1;
	s5 =	sadd.s32 s21, s3  }
0x9d: {  	[timem:s7], [sflag:s22] =	dma.local [hbm:s5], s20  }
0x9e: {  	_ =	swait.ge [sflag:s22], s20  }
0x9f: {  	s4 =	ssub.s32 $0x0, s20;
	[sflag:s22] =	ssyncset.done $0x0  }
0xa0: {  	[sflag:s22] =	ssyncadd.s32 s4;
	_ =	sdelay $0x1  }
0xa1: {  	s23 =	simm.s32 $0x1B8B  }
0xa2: {  	_ =	swait.ge [sflag:s23], $0x1  }
0xa3: {  	[sflag:s23] =	ssyncset.done $0x0  }
0xa4: {  	s25 =	simm.s32 $0x1B8E;
	s24 =	sld [smem:$0x3FFE];
	[sflag:s23] =	ssyncadd.s32 $0xFFFFFFFF  }
0xa5: {  	s26 =	simm.s32 $execute0_lowered;
	[smem:$0x3FD2] =	sst s25  }
0xa6: {  	s5 =	sshll.u32 s26, $0x1;
	_ =	strace $0x8000004C;
	[dreg:$0x1] =	wrdreg $0xFFFFFFFF  }
0xa7: {  	s28 =	simm.s32 $_size_execute0_lowered;
	s3 =	sadd.s32 s3, s5;
	[dreg:$0x0] =	wrdreg $0x0  }
0xa8: {  	s5 =	sshll.u32 s28, $0x1;
	[dreg:$0x2] =	wrdreg s3  }
0xa9: {  	[dreg:$0x3] =	wrdreg s5  }
0xaa: {  	[dreg:$0x4] =	wrdreg $0xC0  }
0xab: {  	_ =	task [dreg:s7], $0x5FFFF  }
0xac: {  	[dreg:$0x1] =	wrdreg $0xFFFFFFFF  }
0xad: {  	[dreg:$0x0] =	wrdreg $0x60  }
0xae: {  	[dreg:$0x2] =	wrdreg s2  }
0xaf: {  	[dreg:$0x3] =	wrdreg s24  }
0xb0: {  	[dreg:$0x4] =	wrdreg $0x9  }
0xb1: {  	_ =	task.clear_ibuf [dreg:s7], $0x5FFFF;
	_ =	strace $0x9000004C  }
0xb2: {  	s29 =	simm.s32 $0x9;
	_ =	strace $0x8000004E  }
0xb3: {  	_ =	swait.ge [sflag:s29], $0x1  }
0xb4: {  	[sflag:s29] =	ssyncadd.s32 $0xFFFFFFFF  }
0xb5: {  	_ =	strace $0x9000004E  }
0xb6: {  	_ =	sfence  }
0xb7: {  	s30 =	sld [smem:$0x0];
	_ =	sdelay $0x2  }
0xb8: {  	s31 =	sshll.u32 s1, $0xD;
	s1 =	sshrl.u32 s1, $0x2  }
0xb9: {  	s3 =	sand.u32 $0x4000, s31;
	s1 =	sadd.s32 s1, s30  }
0xba: {  	s0 =	sor.u32 s3, s0;
	s1 =	sshll.u32 s1, $0x11  }
0xbb: {  	s0 =	sor.u32 s1, s0  }
0xbc: {  	s0 =	sadd.s32 $0x8F2B, s0  }
0xbd: {  	[sflag:s0] =	ssyncadd.remote.s32 $0x1  }
0xbe: {  	_ =	sfence.sel $0xFFFF  }
0xbf: {  	[dreg:$0x0] =	wrdreg $0xFFFFFFFF;
	(pc) =	sbr.abs _section_cstart, $3  }
0xc0: {  	[dreg:$0x1] =	wrdreg $0xFFFFFFFF  }
0xc1: {  	_ =	task.clear_ibuf [dreg:s7], $0x2FFFF;
	_ =	strace $0x9FFFFFFF  }
0xc2: {  	(tm) =	ssettm $0x7FFFFFFF  }
0xc3: {  	_ =	shalt  }
tec
execute0_lowered:
.L_overlay_start_1:
0x0: {  	(tag) =	ssettag $0x1  }
0x1: {  	s1 =	srdreg.scid;
	s2 =	rddreg [dreg:$0x0]  }
0x2: {  	s0 =	stileid.u32;
	s5 =	rddreg [dreg:$0x1];
	s6 =	simm.s32 $0x1  }
0x3: {  	s9 =	simm.s32 $0x1;
	s10 =	simm.s32 $0x3;
	s1 =	sshll.u32 s1, $0xC  }
0x4: {  	s13 =	simm.s32 $0x0;
	s3 =	sshll.u32 s0, $0xD;
	s4 =	sand.u32 $0x1000, s1  }
0x5: {  	s12 =	simm.s32 $0x0;
	s1 =	rddreg [dreg:$0x2];
	s3 =	sor.u32 s3, s4  }
0x6: {  	_ =	strace $0x8000004D;
	s4 =	sadd.s32 $0x12800, s5;
	s8 =	ssub.s32 $0x40000, s3  }
.Ltmp0:
0x7: {  	s5 =	sadd.s32 $0x1A800, s5;
	s7 =	sand.u32 $0x1F000, s8;
	(pc) =	sbr.rel .LBB2_1-.Ltmp0, $4  }
0x8: {  	[sflag:s6] =	ssyncpa.u1 $0x0;
	s11 =	smov.u32 s3;
	p0 =	sne.s32 s7, $0x0  }
0x9: {  	s8 =	sshrl.u32 s8, $0x11;
	s7 =	simm.s32 $0x2;
	s9 =	simm.s32 @!p0 $0x0  }
0xa: {  	[sflag:s7] =	ssyncpa.u1 $0x0;
	p0 =	por $0x0, $0x0;
	s8 =	sadd.s32 s9, s8  }
0xb: {  	vm0 =	vmmov $0xffff;
	[sflag:s10] =	ssyncpa.u1 $0x0;
	s10 =	simm.s32 $0x0;
	s9 =	sadd.s32 $0x1, s8  }
.LBB2_4:
0xc: {  	vm1 =	veq.s32 v0, $0x80000000;
	v63 =	vand.u32 $0xFFF, v0;
	v2 =	vand.u32 $0x3FF, v2  }
0xd: {  	v0 =	vsel vm1, $0xFFFFFFFF, v63;
	v2 =	vsel vm1, $0xFFFFFFFF, v2  }
0xe: {  	v3 =	vshll.u32 v0, $0xA;
	v4 =	vshll.u32 v2, $0x3  }
0xf: {  	v0 =	vshll.u32 v0, $0x7;
	v3 =	vand.u32 $0xFFFFE000, v3;
	v4 =	vand.u32 $0xFFFFFC00, v4  }
0x10: {  	v0 =	vand.u32 $0x380, v0;
	v3 =	vadd.s32 v3, v4  }
0x11: {  	v2 =	vand.u32 $0x7F, v2;
	v0 =	vor.u32 v0, v3  }
0x12: {  	v0 =	vor.u32 v2, v0;
	_ =	sdelay $0x1  }
0x13: {  	(ifvalue) =	ssetifvalue $0x7FFFFFFF;
	s14 =	sadd.s32 $0x10, s14  }
0x14: {  	[tilespmem:s14], [sflag:$0x1] =	stream.indirect_vreg.gather [hbm4b:s2+s10], $0x1, v1, vm0, $0x4038;
	[tilespmem:$0x4000] =	vst v63  }
0x15: {  	(ifvalue) =	ssetifvalue $0x7FFFFFFF;
	s14 =	sadd.s32 $0x10, s14  }
0x16: {  	[tilespmem:s14], [sflag:$0x1] =	stream.indirect_vreg.gather [hbm4b:s2+s10], $0x1, v0, vm0, $0x4038;
	[tilespmem:$0x4000] =	vst v63  }
0x17: {  	_ =	swait.ge [sflag:s6], $0x1000  }
0x18: {  	s30 =	sshrl.u32 s13, $0x3;
	[sflag:s6] =	ssyncset.done $0x0  }
0x19: {  	s31 =	sand.u32 $0x7, s13;
	s14 =	sadd.s32 s5, s30;
	[sflag:s6] =	ssyncadd.s32 $0xFFFFF000  }
0x1a: {  	[hbm4b:s14+s31] =	stream.linear.scatter [tilespmem:s15], [sflag:$0x3], $0x1000, $0x38;
	[tilespmem:$0x4000] =	vst v63  }
.LBB2_5:
0x1b: {  	s15 =	sadd.s32 $0x20000, s11  }
0x1c: {  	p2 =	sgt.s32 s15, $0x3FFFF  }
0x1d: {  	s15 =	smov.u32 @p2 s3;
	p2 =	sne.s32 s12, s9  }
.Ltmp1:
0x1e: {  	p1 =	slt.u32 s12, $0x2;
	(pc) =	sbr.rel @!p2 .LBB2_6-.Ltmp1, $4  }
0x1f: {  	s14 =	simm.s32 @!p1 $0x3  }
0x20: {  	s16 =	sadd.s32 $0x1, s12;
	_ =	swait.ge @!p1 [sflag:s14], $0x1000  }
0x21: {  	s13 =	smov.u32 s11;
	p0 =	por !p0, !p0;
	[sflag:s14] =	ssyncset.done @!p1 $0x0  }
0x22: {  	s12 =	smov.u32 s16;
	s11 =	smov.u32 s15;
	[sflag:s14] =	ssyncadd.s32 @!p1 $0xFFFFF000  }
.LBB2_1:
0x23: {  	p1 =	sge.u32 s12, s8  }
0x24: {  	s14 =	sxor.u32 @!p1 $0xFFFFFFFF, s12  }
0x25: {  	s31 =	sadd.s32 $0xFFFFFFFF, s12;
	s15 =	sshrl.u32 @!p1 s11, $0x3;
	s14 =	sshll.u32 @!p1 s14, $0xC  }
0x26: {  	s16 =	sand.u32 @!p1 $0x7, s11;
	s15 =	sadd.s32 @!p1 s4, s15;
	s14 =	sand.u32 @!p1 $0x1000, s14  }
0x27: {  	[tilespmem:s14], [sflag:$0x2] =	stream.linear.gather @!p1 [hbm4b:s15+s16], $0x1000, $0x38;
	[tilespmem:$0x4000] =	vst v63  }
0x28: {  	p1 =	sge.u32 s31, s8  }
.Ltmp2:
0x29: {  	_ = 	snop;
	(pc) =	sbr.rel @p1 .LBB2_5-.Ltmp2, $1  }
0x2a: {  	_ =	sdelay $0x3  }
0x2b: {  	s14 =	simm.s32 $0x1  }
0x2c: {  	_ =	swait.ge [sflag:s7], $0x1000;
	s14 =	simm.s32 @!p0 $0x0  }
0x2d: {  	[sflag:s7] =	ssyncset.done $0x0;
	s14 =	sshll.u32 s14, $0xC  }
0x2e: {  	[sflag:s7] =	ssyncadd.s32 $0xFFFFF000;
	(ifvalue) =	ssetifvalue $0x7FFFFFFF;
	v0 =	vld.msk [tilespmem:s14+$0x0 ss:$0x1], $0xffff;
	_ =	sdelay $0x3  }
0x2f: {  	s15 =	sadd.s32 $0x10, s14  }
0x30: {  	v2 =	vld.msk [tilespmem:s15+$0x0 ss:$0x1], $0xffff;
	v1 =	vshrl.u32 v0, $0xC  }
0x31: {  	vm1 =	veq.s32 v0, $0x80000000;
	v0 =	vand.u32 $0xFFF, v0;
	v1 =	vand.u32 $0x3FF, v1  }
0x32: {  	v0 =	vsel vm1, $0xFFFFFFFF, v0;
	v1 =	vsel vm1, $0xFFFFFFFF, v1  }
0x33: {  	v3 =	vshll.u32 v0, $0xA;
	v4 =	vshll.u32 v1, $0x3  }
0x34: {  	v0 =	vshll.u32 v0, $0x7;
	v3 =	vand.u32 $0xFFFFE000, v3;
	v4 =	vand.u32 $0xFFFFFC00, v4  }
0x35: {  	vm1 =	veq.s32 v2, $0x80000000;
	v0 =	vand.u32 $0x380, v0;
	v3 =	vadd.s32 v3, v4  }
0x36: {  	v1 =	vand.u32 $0x7F, v1;
	v0 =	vor.u32 v0, v3;
	v3 =	vshrl.u32 v2, $0xC  }
0x37: {  	s17 =	sadd.s32 $0x10, s15;
	v2 =	vand.u32 $0xFFF, v2;
	v1 =	vor.u32 v1, v0;
	v3 =	vand.u32 $0x3FF, v3  }
0x38: {  	v0 =	vld.msk [tilespmem:s17+$0x0 ss:$0x1], $0xffff;
	v2 =	vsel vm1, $0xFFFFFFFF, v2;
	v3 =	vsel vm1, $0xFFFFFFFF, v3  }
0x39: {  	v63 =	vshll.u32 v2, $0xA;
	v5 =	vshll.u32 v3, $0x3  }
0x3a: {  	s31 =	sshll.u32 s12, $0xC;
	v2 =	vshll.u32 v2, $0x7;
	v4 =	vand.u32 $0xFFFFE000, v63;
	v5 =	vand.u32 $0xFFFFFC00, v5  }
0x3b: {  	s14 =	sor.u32 $0x2000, s14;
	s15 =	sand.u32 $0x1000, s31;
	(ifvalue) =	ssetifvalue $0x7FFFFFFF;
	v2 =	vand.u32 $0x380, v2;
	v4 =	vadd.s32 v4, v5  }
0x3c: {  	[tilespmem:s14], [sflag:$0x1] =	stream.indirect_vreg.gather [hbm4b:s2+s10], $0x1, v1, vm0, $0x4038;
	v1 =	vand.u32 $0x7F, v3;
	v3 =	vor.u32 v2, v4;
	[tilespmem:$0x4000] =	vst v63  }
0x3d: {  	s16 =	simm.s32 $0x20;
	s15 =	sor.u32 $0x2000, s15;
	s17 =	sadd.s32 $0x10, s17;
	v2 =	vshrl.u32 v0, $0xC;
	v1 =	vor.u32 v1, v3  }
.LBB2_3:
0x3e: {  	s16 =	sadd.s32 $0x10, s16;
	vm1 =	veq.s32 v0, $0x80000000;
	v3 =	vand.u32 $0xFFF, v0;
	v0 =	vld.msk [tilespmem:s17+$0x0 ss:$0x1], $0xffff;
	v2 =	vand.u32 $0x3FF, v2  }
0x3f: {  	p1 =	slt.u32 s16, $0xFF0;
	v3 =	vsel vm1, $0xFFFFFFFF, v3;
	v2 =	vsel vm1, $0xFFFFFFFF, v2  }
.Ltmp3:
0x40: {  	v4 =	vshll.u32 v3, $0xA;
	v5 =	vshll.u32 v2, $0x3;
	(pc) =	sbr.rel @p1 .LBB2_3-.Ltmp3, $4  }
0x41: {  	s14 =	sadd.s32 $0x10, s14;
	v3 =	vshll.u32 v3, $0x7;
	v4 =	vand.u32 $0xFFFFE000, v4;
	v5 =	vand.u32 $0xFFFFFC00, v5;
	(ifvalue) =	ssetifvalue $0x7FFFFFFF  }
0x42: {  	v3 =	vand.u32 $0x380, v3;
	v4 =	vadd.s32 v4, v5;
	[tilespmem:s14], [sflag:$0x1] =	stream.indirect_vreg.gather [hbm4b:s2+s10], $0x1, v1, vm0, $0x4038;
	[tilespmem:$0x4000] =	vst v63  }
0x43: {  	v1 =	vand.u32 $0x7F, v2;
	v3 =	vor.u32 v3, v4  }
0x44: {  	s17 =	sadd.s32 $0x10, s17;
	v2 =	vshrl.u32 v0, $0xC;
	v1 =	vor.u32 v1, v3  }
.Ltmp4:
0x45: {  	_ = 	snop;
	(pc) =	sbr.rel .LBB2_4-.Ltmp4, $1  }
0x46: {  	_ =	sdelay $0x3  }
.LBB2_6:
0x47: {  	_ =	sfence.sel $0x180000  }
0x48: {  	s2 =	simm.s32 $0x2;
	[bflag:$0x0] =	sbarrier.arrive $0xFFFF  }
0x49: {  	s30 =	simm.s32 $0x3;
	[sflag:s2] =	ssyncpa.u1 $0x1  }
0x4a: {  	s31 =	simm.s32 $0x1;
	[sflag:s30] =	ssyncpa.u1 $0x1  }
0x4b: {  	[sflag:s31] =	ssyncpa.u1 $0x1  }
0x4c: {  	p0 =	sne.s32 s0, $0x0;
	_ =	strace $0x9000004D  }
0x4d: {  	s0 =	sadd.s32 @!p0 $0x100000, s1;
	[bflag:$0x2] =	sbarrier.arrive $0xFFFF  }
0x4e: {  	[sflag:s0] =	ssyncadd.tile.s32 @!p0 $0x1;
	_ =	shalt  }
.Lfunc_end2:
_tile_overlayer_lowered:
.L_overlay_start_2:
0x4f: {  	(tag) =	ssettag $0x2  }
0x50: {  	s0 =	rddreg [dreg:$0x0];
	s2 =	stileid.u32  }
0x51: {  	s1 =	rddreg [dreg:$0x1];
	p0 =	sne.s32 s2, $0x0  }
0x52: {  	s3 =	rddreg [dreg:$0x2];
	[bflag:$0x3] =	sbarrier.arrive $0xFFFF;
	s2 =	simm.s32 @!p0 $0x1C01  }
0x53: {  	[timem:s3], [sflag:s2] =	dma.local @!p0 [hbm:s0], s1  }
0x54: {  	s0 =	simm.s32 @!p0 $0x1  }
0x55: {  	_ =	swait.ge @!p0 [sflag:s0], s1  }
0x56: {  	s1 =	ssub.s32 @!p0 $0x0, s1;
	[sflag:s0] =	ssyncset.done @!p0 $0x0  }
0x57: {  	[sflag:s0] =	ssyncadd.s32 @!p0 s1  }
0x58: {  	[bflag:$0x3] =	sbarrier.arrive $0xFFFF  }
0x59: {  	_ =	shalt  }

// kernel: gather_offload_async_start.2
scs
__scs_entry_jumppad:
0x0: {  	(pc) =	sbr.rel $0x88, $3  }
0x1: {  	(tag) =	ssettag $0x0;
	lr =	simm.s32 $0x1  }
0x2: {  	[smem:$0x3F9E] =	sst lr;
	_ =	strace $0xD0000000  }
0x3: {  	_ = 	snop  }
0x4: {  	_ = 	snop  }
0x5: {  	_ = 	snop  }
0x6: {  	_ = 	snop  }
0x7: {  	_ = 	snop  }
__scs_overlays_trampoline_lowered:
0x8: {  	[smem:$0x3FAD] =	sst s0  }
0x9: {  	[smem:$0x3FAE] =	sst s1  }
0xa: {  	[smem:$0x3FAF] =	sst s2  }
0xb: {  	[smem:$0x3FB0] =	sst s3  }
0xc: {  	[smem:$0x3FB1] =	sst s4  }
0xd: {  	[smem:$0x3FB2] =	sst s5  }
0xe: {  	[smem:$0x3FB3] =	sst s6  }
0xf: {  	[smem:$0x3FB4] =	sst s7  }
0x10: {  	[smem:$0x3FB5] =	sst s8  }
0x11: {  	[smem:$0x3FB6] =	sst s9;
	s0 =	simm.s32 @!p0 $0x0  }
0x12: {  	s1 =	sld [smem:$0x3F9C];
	s0 =	simm.s32 @p0 $0x1  }
0x13: {  	[smem:$0x3FB7] =	sst s0;
	s0 =	simm.s32 @!p1 $0x0  }
0x14: {  	s2 =	sld [smem:$0x3F9B];
	s0 =	simm.s32 @p1 $0x1  }
0x15: {  	[smem:$0x3FB8] =	sst s0;
	s0 =	simm.s32 @!p2 $0x0  }
0x16: {  	s3 =	sld [smem:$0x3FDB];
	s0 =	simm.s32 @p2 $0x1  }
0x17: {  	s4 =	simm.s32 $0x1BF5;
	[smem:$0x3FBA] =	sst s0  }
0x18: {  	s0 =	sld [smem:$0x3F9D];
	_ =	swait.ge [sflag:s4], $0x0  }
0x19: {  	s7 =	sld [smem:$0x3F9E]  }
0x1a: {  	s8 =	sadd.s32 $0xFFFFE003, lr  }
0x1b: {  	s9 =	sadd.s32 $0xFFFFFEF7, lr;
	s5 =	simm.s32 $0xFFFFFFFF;
	p2 =	slt.u32 s8, $0xFFFFF086  }
0x1c: {  	p1 =	slt.u32 s9, $0xF7A;
	s5 =	simm.s32 @!p2 $0x0  }
0x1d: {  	s5 =	simm.s32 @p1 $0x1;
	p0 =	seq.s32 s7, s2  }
0x1e: {  	s7 =	smul.u32 @!p0 $0xF7A, s2;
	p2 =	seq.s32 @!p0 s5, $0x0  }
0x1f: {  	s9 =	smul.u32 $0xF7A, s1;
	s8 =	simm.s32 @!p0 $0x1BF5;
	p2 =	por !p2, p0  }
0x20: {  	[sflag:s8] =	ssyncset.s32 @!p0 $0xFFFFF086;
	s6 =	sadd.s32 @!p0 s3, s7;
	s7 =	simm.s32 @!p0 $0x108  }
0x21: {  	s3 =	sadd.s32 s3, s9;
	s6 =	sadd.s32 @!p0 $0x88, s6;
	s7 =	simm.s32 @p2 $0x1082  }
0x22: {  	[simem:s7], [sflag:s8] =	dma.local @!p0 [hbm:s6], $0xF7A  }
0x23: {  	s9 =	sor.u32 $0xD0000000, s2;
	s6 =	simm.s32 $0x108;
	_ =	swait.ge @!p0 [sflag:s8], $0x0  }
0x24: {  	s3 =	sadd.s32 $0x88, s3;
	s6 =	simm.s32 @!p1 $0x1082;
	[sflag:s4] =	ssyncset.s32 $0xFFFFF086  }
0x25: {  	[simem:s6], [sflag:s4] =	dma.local [hbm:s3], $0xF7A  }
0x26: {  	[smem:$0x3F9E] =	sst s1;
	(tag) =	ssettag s2;
	_ =	strace s9  }
0x27: {  	s1 =	sld [smem:$0x3FAE]  }
0x28: {  	s2 =	sld [smem:$0x3FAF]  }
0x29: {  	s4 =	sld [smem:$0x3FB1]  }
0x2a: {  	p0 =	seq.s32 s5, $0x0;
	s5 =	sld [smem:$0x3FB2]  }
0x2b: {  	s6 =	sld [smem:$0x3FB3]  }
0x2c: {  	s7 =	sld [smem:$0x3FB4]  }
0x2d: {  	s3 =	simm.s32 $0x108;
	s8 =	sld [smem:$0x3FB5]  }
0x2e: {  	s3 =	simm.s32 @!p0 $0x1082;
	s9 =	sld [smem:$0x3FB6]  }
0x2f: {  	lr =	sadd.s32 s0, s3;
	s0 =	sld [smem:$0x3FAD]  }
0x30: {  	s3 =	sld [smem:$0x3FB0]  }
0x31: {  	[smem:$0x3FB9] =	sst s10  }
0x32: {  	s10 =	sld [smem:$0x3FB7];
	_ =	sdelay $0x3  }
0x33: {  	p0 =	seq.s32 s10, $0x1;
	s10 =	sld [smem:$0x3FB9];
	_ =	sdelay $0x3  }
0x34: {  	[smem:$0x3FB9] =	sst s10  }
0x35: {  	s10 =	sld [smem:$0x3FB8];
	_ =	sdelay $0x3  }
0x36: {  	p1 =	seq.s32 s10, $0x1;
	s10 =	sld [smem:$0x3FB9];
	_ =	sdelay $0x3  }
0x37: {  	[smem:$0x3FB9] =	sst s10  }
0x38: {  	s10 =	sld [smem:$0x3FBA]  }
0x39: {  	_ = 	snop;
	(pc) =	sbr.ind lr, $3  }
0x3a: {  	_ = 	snop  }
0x3b: {  	_ = 	snop  }
0x3c: {  	p2 =	seq.s32 s10, $0x1;
	s10 =	sld [smem:$0x3FB9]  }
0x3d: {  	_ =	shalt  }
0x3e: {  	_ =	shalt  }
0x3f: {  	_ =	shalt  }
0x40: {  	_ =	shalt  }
0x41: {  	_ =	shalt  }
0x42: {  	_ =	shalt  }
0x43: {  	_ =	shalt  }
0x44: {  	_ =	shalt  }
0x45: {  	_ =	shalt  }
0x46: {  	_ =	shalt  }
0x47: {  	_ =	shalt  }
0x48: {  	_ =	shalt  }
0x49: {  	_ =	shalt  }
0x4a: {  	_ =	shalt  }
0x4b: {  	_ =	shalt  }
0x4c: {  	_ =	shalt  }
0x4d: {  	_ =	shalt  }
0x4e: {  	_ =	shalt  }
0x4f: {  	_ =	shalt  }
0x50: {  	_ =	shalt  }
0x51: {  	_ =	shalt  }
0x52: {  	_ =	shalt  }
0x53: {  	_ =	shalt  }
0x54: {  	_ =	shalt  }
0x55: {  	_ =	shalt  }
0x56: {  	_ =	shalt  }
0x57: {  	_ =	shalt  }
0x58: {  	_ =	shalt  }
0x59: {  	_ =	shalt  }
0x5a: {  	_ =	shalt  }
0x5b: {  	_ =	shalt  }
0x5c: {  	_ =	shalt  }
0x5d: {  	_ =	shalt  }
0x5e: {  	_ =	shalt  }
0x5f: {  	_ =	shalt  }
0x60: {  	_ =	shalt  }
0x61: {  	_ =	shalt  }
0x62: {  	_ =	shalt  }
0x63: {  	_ =	shalt  }
0x64: {  	_ =	shalt  }
0x65: {  	_ =	shalt  }
0x66: {  	_ =	shalt  }
0x67: {  	_ =	shalt  }
0x68: {  	_ =	shalt  }
0x69: {  	_ =	shalt  }
0x6a: {  	_ =	shalt  }
0x6b: {  	_ =	shalt  }
0x6c: {  	_ =	shalt  }
0x6d: {  	_ =	shalt  }
0x6e: {  	_ =	shalt  }
0x6f: {  	_ =	shalt  }
0x70: {  	_ =	shalt  }
0x71: {  	_ =	shalt  }
0x72: {  	_ =	shalt  }
0x73: {  	_ =	shalt  }
0x74: {  	_ =	shalt  }
0x75: {  	_ =	shalt  }
0x76: {  	_ =	shalt  }
0x77: {  	_ =	shalt  }
0x78: {  	_ =	shalt  }
0x79: {  	_ =	shalt  }
0x7a: {  	_ =	shalt  }
0x7b: {  	_ =	shalt  }
0x7c: {  	_ =	shalt  }
0x7d: {  	_ =	shalt  }
0x7e: {  	_ =	shalt  }
0x7f: {  	_ =	shalt  }
0x80: {  	_ =	shalt  }
0x81: {  	_ =	shalt  }
0x82: {  	_ =	shalt  }
0x83: {  	_ =	shalt  }
0x84: {  	_ =	shalt  }
0x85: {  	_ =	shalt  }
0x86: {  	_ =	shalt  }
0x87: {  	_ =	shalt  }
.Lfunc_end0:
.L_simem_size_0:
called_computation.3_lowered:
.L_overlay_start_0:
0x88: {  	s2 =	sld [smem:$0x3FD9]  }
0x89: {  	s3 =	sld [smem:$0x3FFE];
	_ =	sdelay $0x1  }
0x8a: {  	s1 =	srdreg.scid  }
0x8b: {  	s0 =	sand.u32 $0x1, s1  }
0x8c: {  	s17 =	sshll.u32 s0, $0xA;
	s2 =	sadd.s32 s3, s2  }
0x8d: {  	s2 =	sadd.s32 s2, s17  }
0x8e: {  	[smem:$0x3FC5] =	sst s2  }
0x8f: {  	_ = 	snop  }
0x90: {  	s2 =	sld [smem:$0x3FD0];
	(tm) =	ssettm $0x1  }
0x91: {  	s18 =	sld [smem:$0x3FFB];
	_ =	sdelay $0x3  }
0x92: {  	_ =	strace s18  }
0x93: {  	s3 =	sld [smem:$0x3FFC];
	_ =	sdelay $0x3  }
0x94: {  	_ =	strace s3  }
0x95: {  	s3 =	sld [smem:$0x3FFD];
	_ =	sdelay $0x3  }
0x96: {  	_ =	strace s3  }
0x97: {  	_ =	strace $0x8FFFFFFF  }
0x98: {  	s19 =	sld [smem:$0x3FDB];
	_ =	sdelay $0x1  }
0x99: {  	s4 =	simm.s32 $_scs_section_size  }
0x9a: {  	s5 =	simm.s32 $_size__tile_overlayer_lowered;
	s6 =	simm.s32 $_tile_overlayer_lowered  }
0x9b: {  	s22 =	simm.s32 $0x1BFF;
	s21 =	sshll.u32 s6, $0x1;
	s3 =	sadd.s32 s4, s19  }
0x9c: {  	s7 =	simm.s32 $0x0;
	s20 =	sshll.u32 s5, $0x1;
	s5 =	sadd.s32 s21, s3  }
0x9d: {  	[timem:s7], [sflag:s22] =	dma.local [hbm:s5], s20  }
0x9e: {  	_ =	swait.ge [sflag:s22], s20  }
0x9f: {  	s4 =	ssub.s32 $0x0, s20;
	[sflag:s22] =	ssyncset.done $0x0  }
0xa0: {  	[sflag:s22] =	ssyncadd.s32 s4;
	_ =	sdelay $0x1  }
0xa1: {  	s23 =	simm.s32 $0x1B8B  }
0xa2: {  	_ =	swait.ge [sflag:s23], $0x1  }
0xa3: {  	[sflag:s23] =	ssyncset.done $0x0  }
0xa4: {  	s25 =	simm.s32 $0x1B8E;
	s24 =	sld [smem:$0x3FFE];
	[sflag:s23] =	ssyncadd.s32 $0xFFFFFFFF  }
0xa5: {  	s26 =	simm.s32 $execute0_lowered;
	[smem:$0x3FD2] =	sst s25  }
0xa6: {  	s5 =	sshll.u32 s26, $0x1;
	_ =	strace $0x8000004F;
	[dreg:$0x1] =	wrdreg $0xFFFFFFFF  }
0xa7: {  	s28 =	simm.s32 $_size_execute0_lowered;
	s3 =	sadd.s32 s3, s5;
	[dreg:$0x0] =	wrdreg $0x0  }
0xa8: {  	s5 =	sshll.u32 s28, $0x1;
	[dreg:$0x2] =	wrdreg s3  }
0xa9: {  	[dreg:$0x3] =	wrdreg s5  }
0xaa: {  	[dreg:$0x4] =	wrdreg $0xC0  }
0xab: {  	_ =	task [dreg:s7], $0x5FFFF  }
0xac: {  	[dreg:$0x1] =	wrdreg $0xFFFFFFFF  }
0xad: {  	[dreg:$0x0] =	wrdreg $0x60  }
0xae: {  	[dreg:$0x2] =	wrdreg s24  }
0xaf: {  	[dreg:$0x3] =	wrdreg s2  }
0xb0: {  	[dreg:$0x4] =	wrdreg $0x9  }
0xb1: {  	_ =	task.clear_ibuf [dreg:s7], $0x5FFFF;
	_ =	strace $0x9000004F  }
0xb2: {  	s29 =	simm.s32 $0x9;
	_ =	strace $0x80000051  }
0xb3: {  	_ =	swait.ge [sflag:s29], $0x1  }
0xb4: {  	[sflag:s29] =	ssyncadd.s32 $0xFFFFFFFF  }
0xb5: {  	_ =	strace $0x90000051  }
0xb6: {  	_ =	sfence  }
0xb7: {  	s30 =	sld [smem:$0x0];
	_ =	sdelay $0x2  }
0xb8: {  	s31 =	sshll.u32 s1, $0xD;
	s1 =	sshrl.u32 s1, $0x2  }
0xb9: {  	s3 =	sand.u32 $0x4000, s31;
	s1 =	sadd.s32 s1, s30  }
0xba: {  	s0 =	sor.u32 s3, s0;
	s1 =	sshll.u32 s1, $0x11  }
0xbb: {  	s0 =	sor.u32 s1, s0  }
0xbc: {  	s0 =	sadd.s32 $0x8F2B, s0  }
0xbd: {  	[sflag:s0] =	ssyncadd.remote.s32 $0x1  }
0xbe: {  	_ =	sfence.sel $0xFFFF  }
0xbf: {  	[dreg:$0x0] =	wrdreg $0xFFFFFFFF;
	(pc) =	sbr.abs _section_cstart, $3  }
0xc0: {  	[dreg:$0x1] =	wrdreg $0xFFFFFFFF  }
0xc1: {  	_ =	task.clear_ibuf [dreg:s7], $0x2FFFF;
	_ =	strace $0x9FFFFFFF  }
0xc2: {  	(tm) =	ssettm $0x7FFFFFFF  }
0xc3: {  	_ =	shalt  }
tec
execute0_lowered:
.L_overlay_start_1:
0x0: {  	(tag) =	ssettag $0x1  }
0x1: {  	s5 =	rddreg [dreg:$0x0];
	s0 =	srdreg.scid  }
0x2: {  	s2 =	rddreg [dreg:$0x1];
	s1 =	stileid.u32;
	s6 =	simm.s32 $0x1  }
0x3: {  	s9 =	simm.s32 $0x1;
	s10 =	simm.s32 $0x3;
	s3 =	sshll.u32 s0, $0xF  }
0x4: {  	s13 =	simm.s32 $0x0;
	s4 =	sshll.u32 s1, $0x10;
	s3 =	sand.u32 $0x8000, s3  }
0x5: {  	s0 =	rddreg [dreg:$0x2];
	_ =	strace $0x80000050;
	s3 =	sor.u32 s4, s3  }
0x6: {  	s12 =	simm.s32 $0x0;
	[sflag:s6] =	ssyncpa.u1 $0x0;
	s8 =	ssub.s32 $0x200000, s3  }
.Ltmp0:
0x7: {  	s4 =	sadd.s32 $0xC82800, s5;
	s7 =	sand.u32 $0xF8000, s8;
	(pc) =	sbr.rel .LBB2_1-.Ltmp0, $4  }
0x8: {  	s5 =	sadd.s32 $0x42800, s5;
	s11 =	smov.u32 s3;
	p0 =	sne.s32 s7, $0x0  }
0x9: {  	s8 =	sshrl.u32 s8, $0x14;
	s7 =	simm.s32 $0x2;
	s9 =	simm.s32 @!p0 $0x0  }
0xa: {  	[sflag:s7] =	ssyncpa.u1 $0x0;
	p0 =	por $0x0, $0x0;
	s8 =	sadd.s32 s9, s8  }
0xb: {  	vm0 =	vmmov $0xffff;
	[sflag:s10] =	ssyncpa.u1 $0x0;
	s10 =	simm.s32 $0x0;
	s9 =	sadd.s32 $0x1, s8  }
.LBB2_4:
0xc: {  	vm1 =	veq.s32 v4, $0x80000000;
	v55 =	vand.u32 $0xFFF, v4;
	v6 =	vand.u32 $0x1FFFF, v6  }
0xd: {  	v2 =	vor.u32 v2, v5;
	v58 =	vshrl.u32 v1, $0xC;
	v59 =	vand.u32 $0xFFF, v1  }
0xe: {  	v4 =	vsel vm1, $0xFFFFFFFF, v55;
	v6 =	vsel vm1, $0xFFFFFFFF, v6;
	v2 =	vor.u32 v3, v2  }
0xf: {  	vm1 =	veq.s32 v1, $0x80000000;
	v5 =	vand.u32 $0x1FFFF, v58;
	v7 =	vshrl.u32 v4, $0x3  }
0x10: {  	v56 =	vshll.u32 v6, $0x3;
	v4 =	vshll.u32 v4, $0x7;
	v1 =	vsel vm1, $0xFFFFFFFF, v59  }
0x11: {  	v5 =	vsel vm1, $0xFFFFFFFF, v5;
	v6 =	vand.u32 $0x7F, v6;
	v7 =	vmul.u32 $0xC8000, v7  }
0x12: {  	v57 =	vand.u32 $0xFFFFFC00, v56;
	v4 =	vand.u32 $0x380, v4;
	v60 =	vshrl.u32 v1, $0x3  }
0x13: {  	v61 =	vshll.u32 v5, $0x3;
	v3 =	vadd.s32 v7, v57;
	v7 =	vmul.u32 $0xC8000, v60  }
0x14: {  	v1 =	vshll.u32 v1, $0x7;
	v3 =	vor.u32 v4, v3;
	v4 =	vand.u32 $0xFFFFFC00, v61  }
0x15: {  	v1 =	vand.u32 $0x380, v1;
	v3 =	vor.u32 v6, v3;
	v4 =	vadd.s32 v7, v4  }
0x16: {  	[tilespmem:s16], [sflag:$0x1] =	stream.indirect_vreg.gather [hbm4b:s4+s10], $0x1, v0, vm0, $0x4038;
	v62 =	vand.u32 $0x7F, v5;
	v1 =	vor.u32 v1, v4;
	v63 =	vld [tilespmem:$0x0]  }
0x17: {  	s15 =	sadd.s32 $0x10, s15;
	(ifvalue) =	ssetifvalue $0x7FFFFFFF;
	v0 =	vor.u32 v62, v1  }
0x18: {  	[tilespmem:s15], [sflag:$0x1] =	stream.indirect_vreg.gather [hbm4b:s4+s10], $0x1, v2, vm0, $0x4038;
	v63 =	vld [tilespmem:$0x0]  }
0x19: {  	s15 =	sadd.s32 $0x10, s15;
	(ifvalue) =	ssetifvalue $0x7FFFFFFF  }
0x1a: {  	[tilespmem:s15], [sflag:$0x1] =	stream.indirect_vreg.gather [hbm4b:s4+s10], $0x1, v3, vm0, $0x4038;
	v63 =	vld [tilespmem:$0x0]  }
0x1b: {  	s15 =	sadd.s32 $0x10, s15;
	(ifvalue) =	ssetifvalue $0x7FFFFFFF  }
0x1c: {  	[tilespmem:s15], [sflag:$0x1] =	stream.indirect_vreg.gather [hbm4b:s4+s10], $0x1, v0, vm0, $0x4038;
	v63 =	vld [tilespmem:$0x0]  }
0x1d: {  	_ =	swait.ge [sflag:s6], $0x8000  }
0x1e: {  	s30 =	sshrl.u32 s13, $0x3;
	[sflag:s6] =	ssyncset.done $0x0  }
0x1f: {  	s31 =	sand.u32 $0x7, s13;
	s15 =	sadd.s32 s5, s30;
	[sflag:s6] =	ssyncadd.s32 $0xFFFF8000  }
0x20: {  	[hbm4b:s15+s31] =	stream.linear.scatter [tilespmem:s14], [sflag:$0x3], $0x8000, $0x38;
	v63 =	vld [tilespmem:$0x0]  }
.LBB2_5:
0x21: {  	s15 =	sadd.s32 $0x100000, s11  }
0x22: {  	p2 =	sgt.s32 s15, $0x1FFFFF  }
0x23: {  	s15 =	smov.u32 @p2 s3;
	p2 =	sne.s32 s12, s9  }
.Ltmp1:
0x24: {  	p1 =	slt.u32 s12, $0x2;
	(pc) =	sbr.rel @!p2 .LBB2_6-.Ltmp1, $4  }
0x25: {  	s14 =	simm.s32 @!p1 $0x3  }
0x26: {  	s16 =	sadd.s32 $0x1, s12;
	_ =	swait.ge @!p1 [sflag:s14], $0x8000  }
0x27: {  	s13 =	smov.u32 s11;
	p0 =	por !p0, !p0;
	[sflag:s14] =	ssyncset.done @!p1 $0x0  }
0x28: {  	s12 =	smov.u32 s16;
	s11 =	smov.u32 s15;
	[sflag:s14] =	ssyncadd.s32 @!p1 $0xFFFF8000  }
.LBB2_1:
0x29: {  	p1 =	sge.u32 s12, s8  }
0x2a: {  	s14 =	sxor.u32 @!p1 $0xFFFFFFFF, s12  }
0x2b: {  	s31 =	sadd.s32 $0xFFFFFFFF, s12;
	s15 =	sshrl.u32 @!p1 s11, $0x3;
	s14 =	sshll.u32 @!p1 s14, $0xF  }
0x2c: {  	s16 =	sand.u32 @!p1 $0x7, s11;
	s15 =	sadd.s32 @!p1 s2, s15;
	s14 =	sand.u32 @!p1 $0x8000, s14  }
0x2d: {  	[tilespmem:s14], [sflag:$0x2] =	stream.linear.gather @!p1 [hbm4b:s15+s16], $0x8000, $0x38;
	v63 =	vld [tilespmem:$0x0]  }
0x2e: {  	p1 =	sge.u32 s31, s8  }
.Ltmp2:
0x2f: {  	_ = 	snop;
	(pc) =	sbr.rel @p1 .LBB2_5-.Ltmp2, $1  }
0x30: {  	_ =	sdelay $0x3  }
0x31: {  	s14 =	simm.s32 $0x1  }
0x32: {  	_ =	swait.ge [sflag:s7], $0x8000;
	s14 =	simm.s32 @!p0 $0x0  }
0x33: {  	[sflag:s7] =	ssyncset.done $0x0;
	s14 =	sshll.u32 s14, $0xF  }
0x34: {  	[sflag:s7] =	ssyncadd.s32 $0xFFFF8000;
	(ifvalue) =	ssetifvalue $0x7FFFFFFF;
	v0 =	vld.msk [tilespmem:s14+$0x0 ss:$0x1], $0xffff  }
0x35: {  	s15 =	sadd.s32 $0x10, s14  }
0x36: {  	v1 =	vld.msk [tilespmem:s15+$0x0 ss:$0x1], $0xffff;
	_ =	sdelay $0x2  }
0x37: {  	v2 =	vshrl.u32 v0, $0xC  }
0x38: {  	vm1 =	veq.s32 v0, $0x80000000;
	v0 =	vand.u32 $0xFFF, v0;
	v2 =	vand.u32 $0x1FFFF, v2  }
0x39: {  	v0 =	vsel vm1, $0xFFFFFFFF, v0;
	v6 =	vshrl.u32 v1, $0xC;
	v2 =	vsel vm1, $0xFFFFFFFF, v2  }
0x3a: {  	v3 =	vshrl.u32 v0, $0x3;
	v0 =	vshll.u32 v0, $0x7;
	vm1 =	veq.s32 v1, $0x80000000  }
0x3b: {  	s15 =	sadd.s32 $0x10, s15;
	v1 =	vand.u32 $0xFFF, v1;
	v4 =	vshll.u32 v2, $0x3;
	v3 =	vmul.u32 $0xC8000, v3  }
0x3c: {  	v0 =	vand.u32 $0x380, v0;
	v7 =	vand.u32 $0x7F, v2;
	v5 =	vand.u32 $0xFFFFFC00, v4;
	v4 =	vld.msk [tilespmem:s15+$0x0 ss:$0x1], $0xffff  }
0x3d: {  	v1 =	vsel vm1, $0xFFFFFFFF, v1;
	v2 =	vadd.s32 v3, v5;
	v3 =	vand.u32 $0x1FFFF, v6  }
0x3e: {  	v3 =	vsel vm1, $0xFFFFFFFF, v3;
	v0 =	vor.u32 v0, v2;
	v2 =	vshrl.u32 v1, $0x3  }
0x3f: {  	s16 =	sshll.u32 s12, $0xF;
	s18 =	simm.s32 $0x30;
	v1 =	vshll.u32 v1, $0x7;
	v5 =	vshll.u32 v3, $0x3;
	v8 =	vmul.u32 $0xC8000, v2  }
0x40: {  	s31 =	sand.u32 $0x8000, s16;
	s17 =	sadd.s32 $0x10, s15;
	s15 =	sor.u32 $0x10000, s14;
	v2 =	vand.u32 $0x380, v1;
	v0 =	vor.u32 v7, v0;
	v5 =	vand.u32 $0xFFFFFC00, v5  }
0x41: {  	s14 =	sor.u32 $0x10000, s31;
	s16 =	smov.u32 s15;
	v1 =	vld.msk [tilespmem:s17+$0x0 ss:$0x1], $0xffff;
	v3 =	vand.u32 $0x7F, v3;
	(ifvalue) =	ssetifvalue $0x7FFFFFFF;
	v6 =	vshrl.u32 v4, $0xC;
	v5 =	vadd.s32 v8, v5  }
.LBB2_3:
0x42: {  	s18 =	sadd.s32 $0x10, s18  }
0x43: {  	vm1 =	veq.s32 v4, $0x80000000;
	v4 =	vand.u32 $0xFFF, v4;
	v6 =	vand.u32 $0x1FFFF, v6;
	s15 =	sadd.s32 $0x10, s15;
	p1 =	slt.u32 s18, $0x7FF0  }
.Ltmp3:
0x44: {  	v5 =	vor.u32 v2, v5;
	v4 =	vsel vm1, $0xFFFFFFFF, v4;
	v7 =	vsel vm1, $0xFFFFFFFF, v6;
	(pc) =	sbr.rel @p1 .LBB2_3-.Ltmp3, $4  }
0x45: {  	v2 =	vshrl.u32 v4, $0x3;
	v6 =	vshll.u32 v7, $0x3;
	v4 =	vshll.u32 v4, $0x7;
	[tilespmem:s16], [sflag:$0x1] =	stream.indirect_vreg.gather [hbm4b:s4+s10], $0x1, v0, vm0, $0x4038;
	v63 =	vld [tilespmem:$0x0]  }
0x46: {  	v0 =	vor.u32 v3, v5;
	s16 =	smov.u32 s15;
	v8 =	vmul.u32 $0xC8000, v2;
	v2 =	vand.u32 $0x380, v4  }
0x47: {  	s17 =	sadd.s32 $0x10, s17;
	v9 =	vand.u32 $0xFFFFFC00, v6  }
0x48: {  	v3 =	vand.u32 $0x7F, v7;
	v6 =	vshrl.u32 v1, $0xC;
	v5 =	vadd.s32 v8, v9;
	(ifvalue) =	ssetifvalue $0x7FFFFFFF;
	v4 =	vmovc v1;
	v1 =	vld.msk [tilespmem:s17+$0x0 ss:$0x1], $0xffff  }
.Ltmp4:
0x49: {  	_ = 	snop;
	(pc) =	sbr.rel .LBB2_4-.Ltmp4, $1  }
0x4a: {  	_ =	sdelay $0x3  }
.LBB2_6:
0x4b: {  	_ =	sfence.sel $0x180000  }
0x4c: {  	s2 =	simm.s32 $0x2;
	[bflag:$0x0] =	sbarrier.arrive $0xFFFF  }
0x4d: {  	s30 =	simm.s32 $0x3;
	[sflag:s2] =	ssyncpa.u1 $0x1  }
0x4e: {  	s31 =	simm.s32 $0x1;
	[sflag:s30] =	ssyncpa.u1 $0x1  }
0x4f: {  	[sflag:s31] =	ssyncpa.u1 $0x1  }
0x50: {  	p0 =	sne.s32 s1, $0x0;
	_ =	strace $0x90000050  }
0x51: {  	s0 =	sadd.s32 @!p0 $0x100000, s0;
	[bflag:$0x2] =	sbarrier.arrive $0xFFFF  }
0x52: {  	[sflag:s0] =	ssyncadd.tile.s32 @!p0 $0x1;
	_ =	shalt  }
.Lfunc_end2:
_tile_overlayer_lowered:
.L_overlay_start_2:
0x53: {  	(tag) =	ssettag $0x2  }
0x54: {  	s0 =	rddreg [dreg:$0x0];
	s2 =	stileid.u32  }
0x55: {  	s1 =	rddreg [dreg:$0x1];
	p0 =	sne.s32 s2, $0x0  }
0x56: {  	s3 =	rddreg [dreg:$0x2];
	[bflag:$0x3] =	sbarrier.arrive $0xFFFF;
	s2 =	simm.s32 @!p0 $0x1C01  }
0x57: {  	[timem:s3], [sflag:s2] =	dma.local @!p0 [hbm:s0], s1  }
0x58: {  	s0 =	simm.s32 @!p0 $0x1  }
0x59: {  	_ =	swait.ge @!p0 [sflag:s0], s1  }
0x5a: {  	s1 =	ssub.s32 @!p0 $0x0, s1;
	[sflag:s0] =	ssyncset.done @!p0 $0x0  }
0x5b: {  	[sflag:s0] =	ssyncadd.s32 @!p0 s1  }
0x5c: {  	[bflag:$0x3] =	sbarrier.arrive $0xFFFF  }
0x5d: {  	_ =	shalt  }

// kernel: gather_offload_async_start
scs
__scs_entry_jumppad:
0x0: {  	(pc) =	sbr.rel $0x88, $3  }
0x1: {  	(tag) =	ssettag $0x0;
	lr =	simm.s32 $0x1  }
0x2: {  	[smem:$0x3F9E] =	sst lr;
	_ =	strace $0xD0000000  }
0x3: {  	_ = 	snop  }
0x4: {  	_ = 	snop  }
0x5: {  	_ = 	snop  }
0x6: {  	_ = 	snop  }
0x7: {  	_ = 	snop  }
__scs_overlays_trampoline_lowered:
0x8: {  	[smem:$0x3FAD] =	sst s0  }
0x9: {  	[smem:$0x3FAE] =	sst s1  }
0xa: {  	[smem:$0x3FAF] =	sst s2  }
0xb: {  	[smem:$0x3FB0] =	sst s3  }
0xc: {  	[smem:$0x3FB1] =	sst s4  }
0xd: {  	[smem:$0x3FB2] =	sst s5  }
0xe: {  	[smem:$0x3FB3] =	sst s6  }
0xf: {  	[smem:$0x3FB4] =	sst s7  }
0x10: {  	[smem:$0x3FB5] =	sst s8  }
0x11: {  	[smem:$0x3FB6] =	sst s9;
	s0 =	simm.s32 @!p0 $0x0  }
0x12: {  	s1 =	sld [smem:$0x3F9C];
	s0 =	simm.s32 @p0 $0x1  }
0x13: {  	[smem:$0x3FB7] =	sst s0;
	s0 =	simm.s32 @!p1 $0x0  }
0x14: {  	s2 =	sld [smem:$0x3F9B];
	s0 =	simm.s32 @p1 $0x1  }
0x15: {  	[smem:$0x3FB8] =	sst s0;
	s0 =	simm.s32 @!p2 $0x0  }
0x16: {  	s3 =	sld [smem:$0x3FDB];
	s0 =	simm.s32 @p2 $0x1  }
0x17: {  	s4 =	simm.s32 $0x1BF5;
	[smem:$0x3FBA] =	sst s0  }
0x18: {  	s0 =	sld [smem:$0x3F9D];
	_ =	swait.ge [sflag:s4], $0x0  }
0x19: {  	s7 =	sld [smem:$0x3F9E]  }
0x1a: {  	s8 =	sadd.s32 $0xFFFFE003, lr  }
0x1b: {  	s9 =	sadd.s32 $0xFFFFFEF7, lr;
	s5 =	simm.s32 $0xFFFFFFFF;
	p2 =	slt.u32 s8, $0xFFFFF086  }
0x1c: {  	p1 =	slt.u32 s9, $0xF7A;
	s5 =	simm.s32 @!p2 $0x0  }
0x1d: {  	s5 =	simm.s32 @p1 $0x1;
	p0 =	seq.s32 s7, s2  }
0x1e: {  	s7 =	smul.u32 @!p0 $0xF7A, s2;
	p2 =	seq.s32 @!p0 s5, $0x0  }
0x1f: {  	s9 =	smul.u32 $0xF7A, s1;
	s8 =	simm.s32 @!p0 $0x1BF5;
	p2 =	por !p2, p0  }
0x20: {  	[sflag:s8] =	ssyncset.s32 @!p0 $0xFFFFF086;
	s6 =	sadd.s32 @!p0 s3, s7;
	s7 =	simm.s32 @!p0 $0x108  }
0x21: {  	s3 =	sadd.s32 s3, s9;
	s6 =	sadd.s32 @!p0 $0x88, s6;
	s7 =	simm.s32 @p2 $0x1082  }
0x22: {  	[simem:s7], [sflag:s8] =	dma.local @!p0 [hbm:s6], $0xF7A  }
0x23: {  	s9 =	sor.u32 $0xD0000000, s2;
	s6 =	simm.s32 $0x108;
	_ =	swait.ge @!p0 [sflag:s8], $0x0  }
0x24: {  	s3 =	sadd.s32 $0x88, s3;
	s6 =	simm.s32 @!p1 $0x1082;
	[sflag:s4] =	ssyncset.s32 $0xFFFFF086  }
0x25: {  	[simem:s6], [sflag:s4] =	dma.local [hbm:s3], $0xF7A  }
0x26: {  	[smem:$0x3F9E] =	sst s1;
	(tag) =	ssettag s2;
	_ =	strace s9  }
0x27: {  	s1 =	sld [smem:$0x3FAE]  }
0x28: {  	s2 =	sld [smem:$0x3FAF]  }
0x29: {  	s4 =	sld [smem:$0x3FB1]  }
0x2a: {  	p0 =	seq.s32 s5, $0x0;
	s5 =	sld [smem:$0x3FB2]  }
0x2b: {  	s6 =	sld [smem:$0x3FB3]  }
0x2c: {  	s7 =	sld [smem:$0x3FB4]  }
0x2d: {  	s3 =	simm.s32 $0x108;
	s8 =	sld [smem:$0x3FB5]  }
0x2e: {  	s3 =	simm.s32 @!p0 $0x1082;
	s9 =	sld [smem:$0x3FB6]  }
0x2f: {  	lr =	sadd.s32 s0, s3;
	s0 =	sld [smem:$0x3FAD]  }
0x30: {  	s3 =	sld [smem:$0x3FB0]  }
0x31: {  	[smem:$0x3FB9] =	sst s10  }
0x32: {  	s10 =	sld [smem:$0x3FB7];
	_ =	sdelay $0x3  }
0x33: {  	p0 =	seq.s32 s10, $0x1;
	s10 =	sld [smem:$0x3FB9];
	_ =	sdelay $0x3  }
0x34: {  	[smem:$0x3FB9] =	sst s10  }
0x35: {  	s10 =	sld [smem:$0x3FB8];
	_ =	sdelay $0x3  }
0x36: {  	p1 =	seq.s32 s10, $0x1;
	s10 =	sld [smem:$0x3FB9];
	_ =	sdelay $0x3  }
0x37: {  	[smem:$0x3FB9] =	sst s10  }
0x38: {  	s10 =	sld [smem:$0x3FBA]  }
0x39: {  	_ = 	snop;
	(pc) =	sbr.ind lr, $3  }
0x3a: {  	_ = 	snop  }
0x3b: {  	_ = 	snop  }
0x3c: {  	p2 =	seq.s32 s10, $0x1;
	s10 =	sld [smem:$0x3FB9]  }
0x3d: {  	_ =	shalt  }
0x3e: {  	_ =	shalt  }
0x3f: {  	_ =	shalt  }
0x40: {  	_ =	shalt  }
0x41: {  	_ =	shalt  }
0x42: {  	_ =	shalt  }
0x43: {  	_ =	shalt  }
0x44: {  	_ =	shalt  }
0x45: {  	_ =	shalt  }
0x46: {  	_ =	shalt  }
0x47: {  	_ =	shalt  }
0x48: {  	_ =	shalt  }
0x49: {  	_ =	shalt  }
0x4a: {  	_ =	shalt  }
0x4b: {  	_ =	shalt  }
0x4c: {  	_ =	shalt  }
0x4d: {  	_ =	shalt  }
0x4e: {  	_ =	shalt  }
0x4f: {  	_ =	shalt  }
0x50: {  	_ =	shalt  }
0x51: {  	_ =	shalt  }
0x52: {  	_ =	shalt  }
0x53: {  	_ =	shalt  }
0x54: {  	_ =	shalt  }
0x55: {  	_ =	shalt  }
0x56: {  	_ =	shalt  }
0x57: {  	_ =	shalt  }
0x58: {  	_ =	shalt  }
0x59: {  	_ =	shalt  }
0x5a: {  	_ =	shalt  }
0x5b: {  	_ =	shalt  }
0x5c: {  	_ =	shalt  }
0x5d: {  	_ =	shalt  }
0x5e: {  	_ =	shalt  }
0x5f: {  	_ =	shalt  }
0x60: {  	_ =	shalt  }
0x61: {  	_ =	shalt  }
0x62: {  	_ =	shalt  }
0x63: {  	_ =	shalt  }
0x64: {  	_ =	shalt  }
0x65: {  	_ =	shalt  }
0x66: {  	_ =	shalt  }
0x67: {  	_ =	shalt  }
0x68: {  	_ =	shalt  }
0x69: {  	_ =	shalt  }
0x6a: {  	_ =	shalt  }
0x6b: {  	_ =	shalt  }
0x6c: {  	_ =	shalt  }
0x6d: {  	_ =	shalt  }
0x6e: {  	_ =	shalt  }
0x6f: {  	_ =	shalt  }
0x70: {  	_ =	shalt  }
0x71: {  	_ =	shalt  }
0x72: {  	_ =	shalt  }
0x73: {  	_ =	shalt  }
0x74: {  	_ =	shalt  }
0x75: {  	_ =	shalt  }
0x76: {  	_ =	shalt  }
0x77: {  	_ =	shalt  }
0x78: {  	_ =	shalt  }
0x79: {  	_ =	shalt  }
0x7a: {  	_ =	shalt  }
0x7b: {  	_ =	shalt  }
0x7c: {  	_ =	shalt  }
0x7d: {  	_ =	shalt  }
0x7e: {  	_ =	shalt  }
0x7f: {  	_ =	shalt  }
0x80: {  	_ =	shalt  }
0x81: {  	_ =	shalt  }
0x82: {  	_ =	shalt  }
0x83: {  	_ =	shalt  }
0x84: {  	_ =	shalt  }
0x85: {  	_ =	shalt  }
0x86: {  	_ =	shalt  }
0x87: {  	_ =	shalt  }
.Lfunc_end0:
.L_simem_size_0:
called_computation.1_lowered:
.L_overlay_start_0:
0x88: {  	s2 =	sld [smem:$0x3FD9]  }
0x89: {  	s3 =	sld [smem:$0x3FFE];
	_ =	sdelay $0x1  }
0x8a: {  	s1 =	srdreg.scid  }
0x8b: {  	s0 =	sand.u32 $0x1, s1  }
0x8c: {  	s17 =	sshll.u32 s0, $0xA;
	s2 =	sadd.s32 s3, s2  }
0x8d: {  	s2 =	sadd.s32 s2, s17  }
0x8e: {  	[smem:$0x3FC5] =	sst s2  }
0x8f: {  	_ = 	snop  }
0x90: {  	s2 =	sld [smem:$0x3FD0];
	(tm) =	ssettm $0x1  }
0x91: {  	s18 =	sld [smem:$0x3FFB];
	_ =	sdelay $0x3  }
0x92: {  	_ =	strace s18  }
0x93: {  	s3 =	sld [smem:$0x3FFC];
	_ =	sdelay $0x3  }
0x94: {  	_ =	strace s3  }
0x95: {  	s3 =	sld [smem:$0x3FFD];
	_ =	sdelay $0x3  }
0x96: {  	_ =	strace s3  }
0x97: {  	_ =	strace $0x8FFFFFFF  }
0x98: {  	s19 =	sld [smem:$0x3FDB];
	_ =	sdelay $0x1  }
0x99: {  	s4 =	simm.s32 $_scs_section_size  }
0x9a: {  	s5 =	simm.s32 $_size__tile_overlayer_lowered;
	s6 =	simm.s32 $_tile_overlayer_lowered  }
0x9b: {  	s22 =	simm.s32 $0x1BFF;
	s21 =	sshll.u32 s6, $0x1;
	s3 =	sadd.s32 s4, s19  }
0x9c: {  	s7 =	simm.s32 $0x0;
	s20 =	sshll.u32 s5, $0x1;
	s5 =	sadd.s32 s21, s3  }
0x9d: {  	[timem:s7], [sflag:s22] =	dma.local [hbm:s5], s20  }
0x9e: {  	_ =	swait.ge [sflag:s22], s20  }
0x9f: {  	s4 =	ssub.s32 $0x0, s20;
	[sflag:s22] =	ssyncset.done $0x0  }
0xa0: {  	[sflag:s22] =	ssyncadd.s32 s4;
	_ =	sdelay $0x1  }
0xa1: {  	s23 =	simm.s32 $0x1B8B  }
0xa2: {  	_ =	swait.ge [sflag:s23], $0x1  }
0xa3: {  	[sflag:s23] =	ssyncset.done $0x0  }
0xa4: {  	s25 =	simm.s32 $0x1B8E;
	s24 =	sld [smem:$0x3FFE];
	[sflag:s23] =	ssyncadd.s32 $0xFFFFFFFF  }
0xa5: {  	s26 =	simm.s32 $execute0_lowered;
	[smem:$0x3FD2] =	sst s25  }
0xa6: {  	s5 =	sshll.u32 s26, $0x1;
	_ =	strace $0x80000049;
	[dreg:$0x1] =	wrdreg $0xFFFFFFFF  }
0xa7: {  	s28 =	simm.s32 $_size_execute0_lowered;
	s3 =	sadd.s32 s3, s5;
	[dreg:$0x0] =	wrdreg $0x0  }
0xa8: {  	s5 =	sshll.u32 s28, $0x1;
	[dreg:$0x2] =	wrdreg s3  }
0xa9: {  	[dreg:$0x3] =	wrdreg s5  }
0xaa: {  	[dreg:$0x4] =	wrdreg $0xC0  }
0xab: {  	_ =	task [dreg:s7], $0x5FFFF  }
0xac: {  	[dreg:$0x1] =	wrdreg $0xFFFFFFFF  }
0xad: {  	[dreg:$0x0] =	wrdreg $0x60  }
0xae: {  	[dreg:$0x2] =	wrdreg s24  }
0xaf: {  	[dreg:$0x3] =	wrdreg s2  }
0xb0: {  	[dreg:$0x4] =	wrdreg $0x9  }
0xb1: {  	_ =	task.clear_ibuf [dreg:s7], $0x5FFFF;
	_ =	strace $0x90000049  }
0xb2: {  	s29 =	simm.s32 $0x9;
	_ =	strace $0x8000004B  }
0xb3: {  	_ =	swait.ge [sflag:s29], $0x1  }
0xb4: {  	[sflag:s29] =	ssyncadd.s32 $0xFFFFFFFF  }
0xb5: {  	_ =	strace $0x9000004B  }
0xb6: {  	_ =	sfence  }
0xb7: {  	s30 =	sld [smem:$0x0];
	_ =	sdelay $0x2  }
0xb8: {  	s31 =	sshll.u32 s1, $0xD;
	s1 =	sshrl.u32 s1, $0x2  }
0xb9: {  	s3 =	sand.u32 $0x4000, s31;
	s1 =	sadd.s32 s1, s30  }
0xba: {  	s0 =	sor.u32 s3, s0;
	s1 =	sshll.u32 s1, $0x11  }
0xbb: {  	s0 =	sor.u32 s1, s0  }
0xbc: {  	s0 =	sadd.s32 $0x8F2B, s0  }
0xbd: {  	[sflag:s0] =	ssyncadd.remote.s32 $0x1  }
0xbe: {  	_ =	sfence.sel $0xFFFF  }
0xbf: {  	[dreg:$0x0] =	wrdreg $0xFFFFFFFF;
	(pc) =	sbr.abs _section_cstart, $3  }
0xc0: {  	[dreg:$0x1] =	wrdreg $0xFFFFFFFF  }
0xc1: {  	_ =	task.clear_ibuf [dreg:s7], $0x2FFFF;
	_ =	strace $0x9FFFFFFF  }
0xc2: {  	(tm) =	ssettm $0x7FFFFFFF  }
0xc3: {  	_ =	shalt  }
tec
execute0_lowered:
.L_overlay_start_1:
0x0: {  	(tag) =	ssettag $0x1  }
0x1: {  	s5 =	rddreg [dreg:$0x0];
	s0 =	srdreg.scid  }
0x2: {  	s2 =	rddreg [dreg:$0x1];
	s1 =	stileid.u32;
	s6 =	simm.s32 $0x1  }
0x3: {  	s9 =	simm.s32 $0x1;
	s10 =	simm.s32 $0x3;
	s3 =	sshll.u32 s0, $0xF  }
0x4: {  	s13 =	simm.s32 $0x0;
	s4 =	sshll.u32 s1, $0x10;
	s3 =	sand.u32 $0x8000, s3  }
0x5: {  	s0 =	rddreg [dreg:$0x2];
	_ =	strace $0x8000004A;
	s3 =	sor.u32 s4, s3  }
0x6: {  	s12 =	simm.s32 $0x0;
	[sflag:s6] =	ssyncpa.u1 $0x0;
	s8 =	ssub.s32 $0x400000, s3  }
.Ltmp0:
0x7: {  	s4 =	sadd.s32 $0x3E82800, s5;
	s7 =	sand.u32 $0xF8000, s8;
	(pc) =	sbr.rel .LBB2_1-.Ltmp0, $4  }
0x8: {  	s5 =	sadd.s32 $0x82C00, s5;
	s11 =	smov.u32 s3;
	p0 =	sne.s32 s7, $0x0  }
0x9: {  	s8 =	sshrl.u32 s8, $0x14;
	s7 =	simm.s32 $0x2;
	s9 =	simm.s32 @!p0 $0x0  }
0xa: {  	[sflag:s7] =	ssyncpa.u1 $0x0;
	p0 =	por $0x0, $0x0;
	s8 =	sadd.s32 s9, s8  }
0xb: {  	vm0 =	vmmov $0xffff;
	[sflag:s10] =	ssyncpa.u1 $0x0;
	s10 =	simm.s32 $0x0;
	s9 =	sadd.s32 $0x1, s8  }
.LBB2_4:
0xc: {  	vm1 =	veq.s32 v0, $0x80000000;
	v62 =	vand.u32 $0xFFF, v0;
	v2 =	vand.u32 $0x3FFF, v2  }
0xd: {  	v0 =	vsel vm1, $0xFFFFFFFF, v62;
	v2 =	vsel vm1, $0xFFFFFFFF, v2  }
0xe: {  	v3 =	vshll.u32 v2, $0xC;
	v4 =	vshll.u32 v0, $0x3  }
0xf: {  	v2 =	vshll.u32 v2, $0x7;
	v3 =	vand.u32 $0xFFFF8000, v3;
	v4 =	vand.u32 $0xFFFFFC00, v4  }
0x10: {  	v2 =	vand.u32 $0x380, v2;
	v3 =	vadd.s32 v4, v3  }
0x11: {  	v0 =	vand.u32 $0x7F, v0;
	v2 =	vor.u32 v2, v3  }
0x12: {  	v0 =	vor.u32 v0, v2;
	_ =	sdelay $0x1  }
0x13: {  	(ifvalue) =	ssetifvalue $0x7FFFFFFF;
	s14 =	sadd.s32 $0x10, s14  }
0x14: {  	[tilespmem:s14], [sflag:$0x1] =	stream.indirect_vreg.gather [hbm4b:s4+s10], $0x1, v1, vm0, $0x4038;
	v63 =	vld [tilespmem:$0x0]  }
0x15: {  	(ifvalue) =	ssetifvalue $0x7FFFFFFF;
	s14 =	sadd.s32 $0x10, s14  }
0x16: {  	[tilespmem:s14], [sflag:$0x1] =	stream.indirect_vreg.gather [hbm4b:s4+s10], $0x1, v0, vm0, $0x4038;
	v63 =	vld [tilespmem:$0x0]  }
0x17: {  	_ =	swait.ge [sflag:s6], $0x8000  }
0x18: {  	s30 =	sshrl.u32 s13, $0x3;
	[sflag:s6] =	ssyncset.done $0x0  }
0x19: {  	s31 =	sand.u32 $0x7, s13;
	s14 =	sadd.s32 s5, s30;
	[sflag:s6] =	ssyncadd.s32 $0xFFFF8000  }
0x1a: {  	[hbm4b:s14+s31] =	stream.linear.scatter [tilespmem:s15], [sflag:$0x3], $0x8000, $0x38;
	v63 =	vld [tilespmem:$0x0]  }
.LBB2_5:
0x1b: {  	s15 =	sadd.s32 $0x100000, s11  }
0x1c: {  	p2 =	sgt.s32 s15, $0x3FFFFF  }
0x1d: {  	s15 =	smov.u32 @p2 s3;
	p2 =	sne.s32 s12, s9  }
.Ltmp1:
0x1e: {  	p1 =	slt.u32 s12, $0x2;
	(pc) =	sbr.rel @!p2 .LBB2_6-.Ltmp1, $4  }
0x1f: {  	s14 =	simm.s32 @!p1 $0x3  }
0x20: {  	s16 =	sadd.s32 $0x1, s12;
	_ =	swait.ge @!p1 [sflag:s14], $0x8000  }
0x21: {  	s13 =	smov.u32 s11;
	p0 =	por !p0, !p0;
	[sflag:s14] =	ssyncset.done @!p1 $0x0  }
0x22: {  	s12 =	smov.u32 s16;
	s11 =	smov.u32 s15;
	[sflag:s14] =	ssyncadd.s32 @!p1 $0xFFFF8000  }
.LBB2_1:
0x23: {  	p1 =	sge.u32 s12, s8  }
0x24: {  	s14 =	sxor.u32 @!p1 $0xFFFFFFFF, s12  }
0x25: {  	s31 =	sadd.s32 $0xFFFFFFFF, s12;
	s15 =	sshrl.u32 @!p1 s11, $0x3;
	s14 =	sshll.u32 @!p1 s14, $0xF  }
0x26: {  	s16 =	sand.u32 @!p1 $0x7, s11;
	s15 =	sadd.s32 @!p1 s2, s15;
	s14 =	sand.u32 @!p1 $0x8000, s14  }
0x27: {  	[tilespmem:s14], [sflag:$0x2] =	stream.linear.gather @!p1 [hbm4b:s15+s16], $0x8000, $0x38;
	v63 =	vld [tilespmem:$0x0]  }
0x28: {  	p1 =	sge.u32 s31, s8  }
.Ltmp2:
0x29: {  	_ = 	snop;
	(pc) =	sbr.rel @p1 .LBB2_5-.Ltmp2, $1  }
0x2a: {  	_ =	sdelay $0x3  }
0x2b: {  	s14 =	simm.s32 $0x1  }
0x2c: {  	_ =	swait.ge [sflag:s7], $0x8000;
	s14 =	simm.s32 @!p0 $0x0  }
0x2d: {  	[sflag:s7] =	ssyncset.done $0x0;
	s14 =	sshll.u32 s14, $0xF  }
0x2e: {  	[sflag:s7] =	ssyncadd.s32 $0xFFFF8000;
	(ifvalue) =	ssetifvalue $0x7FFFFFFF;
	v0 =	vld.msk [tilespmem:s14+$0x0 ss:$0x1], $0xffff;
	_ =	sdelay $0x4  }
0x2f: {  	s15 =	sadd.s32 $0x10, s14;
	v1 =	vshrl.u32 v0, $0xC  }
0x30: {  	v2 =	vld.msk [tilespmem:s15+$0x0 ss:$0x1], $0xffff;
	vm1 =	veq.s32 v0, $0x80000000;
	v0 =	vand.u32 $0xFFF, v0;
	v1 =	vand.u32 $0x3FFF, v1  }
0x31: {  	v0 =	vsel vm1, $0xFFFFFFFF, v0;
	v1 =	vsel vm1, $0xFFFFFFFF, v1  }
0x32: {  	v4 =	vshll.u32 v0, $0x3;
	v3 =	vshll.u32 v1, $0xC  }
0x33: {  	v4 =	vand.u32 $0xFFFFFC00, v4;
	v1 =	vshll.u32 v1, $0x7;
	v3 =	vand.u32 $0xFFFF8000, v3  }
0x34: {  	v0 =	vand.u32 $0x7F, v0;
	v1 =	vand.u32 $0x380, v1;
	v3 =	vadd.s32 v4, v3  }
0x35: {  	vm1 =	veq.s32 v2, $0x80000000;
	v1 =	vor.u32 v1, v3;
	v3 =	vshrl.u32 v2, $0xC  }
0x36: {  	s17 =	sadd.s32 $0x10, s15;
	v2 =	vand.u32 $0xFFF, v2;
	v1 =	vor.u32 v0, v1;
	v3 =	vand.u32 $0x3FFF, v3  }
0x37: {  	v0 =	vld.msk [tilespmem:s17+$0x0 ss:$0x1], $0xffff;
	v2 =	vsel vm1, $0xFFFFFFFF, v2;
	v3 =	vsel vm1, $0xFFFFFFFF, v3  }
0x38: {  	v5 =	vshll.u32 v2, $0x3;
	v62 =	vshll.u32 v3, $0xC  }
0x39: {  	s31 =	sshll.u32 s12, $0xF;
	v5 =	vand.u32 $0xFFFFFC00, v5;
	v3 =	vshll.u32 v3, $0x7;
	v4 =	vand.u32 $0xFFFF8000, v62  }
0x3a: {  	s14 =	sor.u32 $0x10000, s14;
	s15 =	sand.u32 $0x8000, s31;
	(ifvalue) =	ssetifvalue $0x7FFFFFFF;
	v3 =	vand.u32 $0x380, v3;
	v4 =	vadd.s32 v5, v4  }
0x3b: {  	[tilespmem:s14], [sflag:$0x1] =	stream.indirect_vreg.gather [hbm4b:s4+s10], $0x1, v1, vm0, $0x4038;
	v1 =	vand.u32 $0x7F, v2;
	v3 =	vor.u32 v3, v4;
	v63 =	vld [tilespmem:$0x0]  }
0x3c: {  	s16 =	simm.s32 $0x20;
	s15 =	sor.u32 $0x10000, s15;
	s17 =	sadd.s32 $0x10, s17;
	v2 =	vshrl.u32 v0, $0xC;
	v1 =	vor.u32 v1, v3  }
.LBB2_3:
0x3d: {  	s16 =	sadd.s32 $0x10, s16;
	vm1 =	veq.s32 v0, $0x80000000;
	v3 =	vand.u32 $0xFFF, v0;
	v0 =	vld.msk [tilespmem:s17+$0x0 ss:$0x1], $0xffff;
	v2 =	vand.u32 $0x3FFF, v2  }
0x3e: {  	p1 =	slt.u32 s16, $0x7FF0;
	v3 =	vsel vm1, $0xFFFFFFFF, v3;
	v2 =	vsel vm1, $0xFFFFFFFF, v2  }
.Ltmp3:
0x3f: {  	v4 =	vshll.u32 v2, $0xC;
	v5 =	vshll.u32 v3, $0x3;
	(pc) =	sbr.rel @p1 .LBB2_3-.Ltmp3, $4  }
0x40: {  	s14 =	sadd.s32 $0x10, s14;
	v2 =	vshll.u32 v2, $0x7;
	v4 =	vand.u32 $0xFFFF8000, v4;
	v5 =	vand.u32 $0xFFFFFC00, v5;
	(ifvalue) =	ssetifvalue $0x7FFFFFFF  }
0x41: {  	v2 =	vand.u32 $0x380, v2;
	v4 =	vadd.s32 v5, v4;
	[tilespmem:s14], [sflag:$0x1] =	stream.indirect_vreg.gather [hbm4b:s4+s10], $0x1, v1, vm0, $0x4038;
	v63 =	vld [tilespmem:$0x0]  }
0x42: {  	v1 =	vand.u32 $0x7F, v3;
	v3 =	vor.u32 v2, v4  }
0x43: {  	s17 =	sadd.s32 $0x10, s17;
	v2 =	vshrl.u32 v0, $0xC;
	v1 =	vor.u32 v1, v3  }
.Ltmp4:
0x44: {  	_ = 	snop;
	(pc) =	sbr.rel .LBB2_4-.Ltmp4, $1  }
0x45: {  	_ =	sdelay $0x3  }
.LBB2_6:
0x46: {  	_ =	sfence.sel $0x180000  }
0x47: {  	s2 =	simm.s32 $0x2;
	[bflag:$0x0] =	sbarrier.arrive $0xFFFF  }
0x48: {  	s30 =	simm.s32 $0x3;
	[sflag:s2] =	ssyncpa.u1 $0x1  }
0x49: {  	s31 =	simm.s32 $0x1;
	[sflag:s30] =	ssyncpa.u1 $0x1  }
0x4a: {  	[sflag:s31] =	ssyncpa.u1 $0x1  }
0x4b: {  	p0 =	sne.s32 s1, $0x0;
	_ =	strace $0x9000004A  }
0x4c: {  	s0 =	sadd.s32 @!p0 $0x100000, s0;
	[bflag:$0x2] =	sbarrier.arrive $0xFFFF  }
0x4d: {  	[sflag:s0] =	ssyncadd.tile.s32 @!p0 $0x1;
	_ =	shalt  }
.Lfunc_end2:
_tile_overlayer_lowered:
.L_overlay_start_2:
0x4e: {  	(tag) =	ssettag $0x2  }
0x4f: {  	s0 =	rddreg [dreg:$0x0];
	s2 =	stileid.u32  }
0x50: {  	s1 =	rddreg [dreg:$0x1];
	p0 =	sne.s32 s2, $0x0  }
0x51: {  	s3 =	rddreg [dreg:$0x2];
	[bflag:$0x3] =	sbarrier.arrive $0xFFFF;
	s2 =	simm.s32 @!p0 $0x1C01  }
0x52: {  	[timem:s3], [sflag:s2] =	dma.local @!p0 [hbm:s0], s1  }
0x53: {  	s0 =	simm.s32 @!p0 $0x1  }
0x54: {  	_ =	swait.ge @!p0 [sflag:s0], s1  }
0x55: {  	s1 =	ssub.s32 @!p0 $0x0, s1;
	[sflag:s0] =	ssyncset.done @!p0 $0x0  }
0x56: {  	[sflag:s0] =	ssyncadd.s32 @!p0 s1  }
0x57: {  	[bflag:$0x3] =	sbarrier.arrive $0xFFFF  }
0x58: {  	_ =	shalt  }

// kernel: kernel.8.cloned.1.call-start
scs
__scs_entry_jumppad:
0x0: {  	(pc) =	sbr.rel $0x88, $3  }
0x1: {  	(tag) =	ssettag $0x0;
	lr =	simm.s32 $0x1  }
0x2: {  	[smem:$0x3F9E] =	sst lr;
	_ =	strace $0xD0000000  }
0x3: {  	_ = 	snop  }
0x4: {  	_ = 	snop  }
0x5: {  	_ = 	snop  }
0x6: {  	_ = 	snop  }
0x7: {  	_ = 	snop  }
__scs_overlays_trampoline_lowered:
0x8: {  	[smem:$0x3FAD] =	sst s0  }
0x9: {  	[smem:$0x3FAE] =	sst s1  }
0xa: {  	[smem:$0x3FAF] =	sst s2  }
0xb: {  	[smem:$0x3FB0] =	sst s3  }
0xc: {  	[smem:$0x3FB1] =	sst s4  }
0xd: {  	[smem:$0x3FB2] =	sst s5  }
0xe: {  	[smem:$0x3FB3] =	sst s6  }
0xf: {  	[smem:$0x3FB4] =	sst s7  }
0x10: {  	[smem:$0x3FB5] =	sst s8  }
0x11: {  	[smem:$0x3FB6] =	sst s9;
	s0 =	simm.s32 @!p0 $0x0  }
0x12: {  	s1 =	sld [smem:$0x3F9C];
	s0 =	simm.s32 @p0 $0x1  }
0x13: {  	[smem:$0x3FB7] =	sst s0;
	s0 =	simm.s32 @!p1 $0x0  }
0x14: {  	s2 =	sld [smem:$0x3F9B];
	s0 =	simm.s32 @p1 $0x1  }
0x15: {  	[smem:$0x3FB8] =	sst s0;
	s0 =	simm.s32 @!p2 $0x0  }
0x16: {  	s3 =	sld [smem:$0x3FDB];
	s0 =	simm.s32 @p2 $0x1  }
0x17: {  	s4 =	simm.s32 $0x1BF5;
	[smem:$0x3FBA] =	sst s0  }
0x18: {  	s0 =	sld [smem:$0x3F9D];
	_ =	swait.ge [sflag:s4], $0x0  }
0x19: {  	s7 =	sld [smem:$0x3F9E]  }
0x1a: {  	s8 =	sadd.s32 $0xFFFFE003, lr  }
0x1b: {  	s9 =	sadd.s32 $0xFFFFFEF7, lr;
	s5 =	simm.s32 $0xFFFFFFFF;
	p2 =	slt.u32 s8, $0xFFFFF086  }
0x1c: {  	p1 =	slt.u32 s9, $0xF7A;
	s5 =	simm.s32 @!p2 $0x0  }
0x1d: {  	s5 =	simm.s32 @p1 $0x1;
	p0 =	seq.s32 s7, s2  }
0x1e: {  	s7 =	smul.u32 @!p0 $0xF7A, s2;
	p2 =	seq.s32 @!p0 s5, $0x0  }
0x1f: {  	s9 =	smul.u32 $0xF7A, s1;
	s8 =	simm.s32 @!p0 $0x1BF5;
	p2 =	por !p2, p0  }
0x20: {  	[sflag:s8] =	ssyncset.s32 @!p0 $0xFFFFF086;
	s6 =	sadd.s32 @!p0 s3, s7;
	s7 =	simm.s32 @!p0 $0x108  }
0x21: {  	s3 =	sadd.s32 s3, s9;
	s6 =	sadd.s32 @!p0 $0x88, s6;
	s7 =	simm.s32 @p2 $0x1082  }
0x22: {  	[simem:s7], [sflag:s8] =	dma.local @!p0 [hbm:s6], $0xF7A  }
0x23: {  	s9 =	sor.u32 $0xD0000000, s2;
	s6 =	simm.s32 $0x108;
	_ =	swait.ge @!p0 [sflag:s8], $0x0  }
0x24: {  	s3 =	sadd.s32 $0x88, s3;
	s6 =	simm.s32 @!p1 $0x1082;
	[sflag:s4] =	ssyncset.s32 $0xFFFFF086  }
0x25: {  	[simem:s6], [sflag:s4] =	dma.local [hbm:s3], $0xF7A  }
0x26: {  	[smem:$0x3F9E] =	sst s1;
	(tag) =	ssettag s2;
	_ =	strace s9  }
0x27: {  	s1 =	sld [smem:$0x3FAE]  }
0x28: {  	s2 =	sld [smem:$0x3FAF]  }
0x29: {  	s4 =	sld [smem:$0x3FB1]  }
0x2a: {  	p0 =	seq.s32 s5, $0x0;
	s5 =	sld [smem:$0x3FB2]  }
0x2b: {  	s6 =	sld [smem:$0x3FB3]  }
0x2c: {  	s7 =	sld [smem:$0x3FB4]  }
0x2d: {  	s3 =	simm.s32 $0x108;
	s8 =	sld [smem:$0x3FB5]  }
0x2e: {  	s3 =	simm.s32 @!p0 $0x1082;
	s9 =	sld [smem:$0x3FB6]  }
0x2f: {  	lr =	sadd.s32 s0, s3;
	s0 =	sld [smem:$0x3FAD]  }
0x30: {  	s3 =	sld [smem:$0x3FB0]  }
0x31: {  	[smem:$0x3FB9] =	sst s10  }
0x32: {  	s10 =	sld [smem:$0x3FB7];
	_ =	sdelay $0x3  }
0x33: {  	p0 =	seq.s32 s10, $0x1;
	s10 =	sld [smem:$0x3FB9];
	_ =	sdelay $0x3  }
0x34: {  	[smem:$0x3FB9] =	sst s10  }
0x35: {  	s10 =	sld [smem:$0x3FB8];
	_ =	sdelay $0x3  }
0x36: {  	p1 =	seq.s32 s10, $0x1;
	s10 =	sld [smem:$0x3FB9];
	_ =	sdelay $0x3  }
0x37: {  	[smem:$0x3FB9] =	sst s10  }
0x38: {  	s10 =	sld [smem:$0x3FBA]  }
0x39: {  	_ = 	snop;
	(pc) =	sbr.ind lr, $3  }
0x3a: {  	_ = 	snop  }
0x3b: {  	_ = 	snop  }
0x3c: {  	p2 =	seq.s32 s10, $0x1;
	s10 =	sld [smem:$0x3FB9]  }
0x3d: {  	_ =	shalt  }
0x3e: {  	_ =	shalt  }
0x3f: {  	_ =	shalt  }
0x40: {  	_ =	shalt  }
0x41: {  	_ =	shalt  }
0x42: {  	_ =	shalt  }
0x43: {  	_ =	shalt  }
0x44: {  	_ =	shalt  }
0x45: {  	_ =	shalt  }
0x46: {  	_ =	shalt  }
0x47: {  	_ =	shalt  }
0x48: {  	_ =	shalt  }
0x49: {  	_ =	shalt  }
0x4a: {  	_ =	shalt  }
0x4b: {  	_ =	shalt  }
0x4c: {  	_ =	shalt  }
0x4d: {  	_ =	shalt  }
0x4e: {  	_ =	shalt  }
0x4f: {  	_ =	shalt  }
0x50: {  	_ =	shalt  }
0x51: {  	_ =	shalt  }
0x52: {  	_ =	shalt  }
0x53: {  	_ =	shalt  }
0x54: {  	_ =	shalt  }
0x55: {  	_ =	shalt  }
0x56: {  	_ =	shalt  }
0x57: {  	_ =	shalt  }
0x58: {  	_ =	shalt  }
0x59: {  	_ =	shalt  }
0x5a: {  	_ =	shalt  }
0x5b: {  	_ =	shalt  }
0x5c: {  	_ =	shalt  }
0x5d: {  	_ =	shalt  }
0x5e: {  	_ =	shalt  }
0x5f: {  	_ =	shalt  }
0x60: {  	_ =	shalt  }
0x61: {  	_ =	shalt  }
0x62: {  	_ =	shalt  }
0x63: {  	_ =	shalt  }
0x64: {  	_ =	shalt  }
0x65: {  	_ =	shalt  }
0x66: {  	_ =	shalt  }
0x67: {  	_ =	shalt  }
0x68: {  	_ =	shalt  }
0x69: {  	_ =	shalt  }
0x6a: {  	_ =	shalt  }
0x6b: {  	_ =	shalt  }
0x6c: {  	_ =	shalt  }
0x6d: {  	_ =	shalt  }
0x6e: {  	_ =	shalt  }
0x6f: {  	_ =	shalt  }
0x70: {  	_ =	shalt  }
0x71: {  	_ =	shalt  }
0x72: {  	_ =	shalt  }
0x73: {  	_ =	shalt  }
0x74: {  	_ =	shalt  }
0x75: {  	_ =	shalt  }
0x76: {  	_ =	shalt  }
0x77: {  	_ =	shalt  }
0x78: {  	_ =	shalt  }
0x79: {  	_ =	shalt  }
0x7a: {  	_ =	shalt  }
0x7b: {  	_ =	shalt  }
0x7c: {  	_ =	shalt  }
0x7d: {  	_ =	shalt  }
0x7e: {  	_ =	shalt  }
0x7f: {  	_ =	shalt  }
0x80: {  	_ =	shalt  }
0x81: {  	_ =	shalt  }
0x82: {  	_ =	shalt  }
0x83: {  	_ =	shalt  }
0x84: {  	_ =	shalt  }
0x85: {  	_ =	shalt  }
0x86: {  	_ =	shalt  }
0x87: {  	_ =	shalt  }
.Lfunc_end0:
.L_simem_size_0:
called_computation.4_lowered:
.L_overlay_start_0:
0x88: {  	s2 =	sld [smem:$0x3FD9]  }
0x89: {  	s3 =	sld [smem:$0x3FFE];
	_ =	sdelay $0x1  }
0x8a: {  	s1 =	srdreg.scid  }
0x8b: {  	s0 =	sand.u32 $0x1, s1  }
0x8c: {  	s17 =	sshll.u32 s0, $0xA;
	s2 =	sadd.s32 s3, s2  }
0x8d: {  	s2 =	sadd.s32 s2, s17  }
0x8e: {  	[smem:$0x3FC5] =	sst s2  }
0x8f: {  	_ = 	snop  }
0x90: {  	s2 =	sld [smem:$0x3FC7];
	(tm) =	ssettm $0x1  }
0x91: {  	s18 =	sld [smem:$0x3FFB];
	_ =	sdelay $0x3  }
0x92: {  	_ =	strace s18  }
0x93: {  	s3 =	sld [smem:$0x3FFC];
	_ =	sdelay $0x3  }
0x94: {  	_ =	strace s3  }
0x95: {  	s3 =	sld [smem:$0x3FFD];
	_ =	sdelay $0x3  }
0x96: {  	_ =	strace s3  }
0x97: {  	_ =	strace $0x8FFFFFFF  }
0x98: {  	s19 =	sld [smem:$0x3FDB];
	_ =	sdelay $0x1  }
0x99: {  	s4 =	simm.s32 $_scs_section_size  }
0x9a: {  	s5 =	simm.s32 $_size__tile_overlayer_lowered;
	s6 =	simm.s32 $_tile_overlayer_lowered  }
0x9b: {  	s22 =	simm.s32 $0x1BFF;
	s21 =	sshll.u32 s6, $0x1;
	s3 =	sadd.s32 s4, s19  }
0x9c: {  	s7 =	simm.s32 $0x0;
	s20 =	sshll.u32 s5, $0x1;
	s5 =	sadd.s32 s21, s3  }
0x9d: {  	[timem:s7], [sflag:s22] =	dma.local [hbm:s5], s20  }
0x9e: {  	_ =	swait.ge [sflag:s22], s20  }
0x9f: {  	s4 =	ssub.s32 $0x0, s20;
	[sflag:s22] =	ssyncset.done $0x0  }
0xa0: {  	[sflag:s22] =	ssyncadd.s32 s4;
	_ =	sdelay $0x1  }
0xa1: {  	s23 =	simm.s32 $0x1B8B  }
0xa2: {  	_ =	swait.ge [sflag:s23], $0x1  }
0xa3: {  	[sflag:s23] =	ssyncset.done $0x0  }
0xa4: {  	s25 =	simm.s32 $0x1B8E;
	s24 =	sld [smem:$0x3FFE];
	[sflag:s23] =	ssyncadd.s32 $0xFFFFFFFF  }
0xa5: {  	s26 =	simm.s32 $execute0_lowered;
	[smem:$0x3FD2] =	sst s25  }
0xa6: {  	s5 =	sshll.u32 s26, $0x1;
	_ =	strace $0x80000052;
	[dreg:$0x1] =	wrdreg $0xFFFFFFFF  }
0xa7: {  	s28 =	simm.s32 $_size_execute0_lowered;
	s3 =	sadd.s32 s3, s5;
	[dreg:$0x0] =	wrdreg $0x0  }
0xa8: {  	s5 =	sshll.u32 s28, $0x1;
	[dreg:$0x2] =	wrdreg s3  }
0xa9: {  	[dreg:$0x3] =	wrdreg s5  }
0xaa: {  	[dreg:$0x4] =	wrdreg $0xC0  }
0xab: {  	_ =	task [dreg:s7], $0x5FFFF  }
0xac: {  	[dreg:$0x1] =	wrdreg $0xFFFFFFFF  }
0xad: {  	[dreg:$0x0] =	wrdreg $0x60  }
0xae: {  	[dreg:$0x2] =	wrdreg s2  }
0xaf: {  	[dreg:$0x3] =	wrdreg s24  }
0xb0: {  	[dreg:$0x4] =	wrdreg $0x9  }
0xb1: {  	_ =	task.clear_ibuf [dreg:s7], $0x5FFFF;
	_ =	strace $0x90000052  }
0xb2: {  	s29 =	simm.s32 $0x9;
	_ =	strace $0x80000054  }
0xb3: {  	_ =	swait.ge [sflag:s29], $0x1  }
0xb4: {  	[sflag:s29] =	ssyncadd.s32 $0xFFFFFFFF  }
0xb5: {  	_ =	strace $0x90000054  }
0xb6: {  	_ =	sfence  }
0xb7: {  	s30 =	sld [smem:$0x0];
	_ =	sdelay $0x2  }
0xb8: {  	s31 =	sshll.u32 s1, $0xD;
	s1 =	sshrl.u32 s1, $0x2  }
0xb9: {  	s3 =	sand.u32 $0x4000, s31;
	s1 =	sadd.s32 s1, s30  }
0xba: {  	s0 =	sor.u32 s3, s0;
	s1 =	sshll.u32 s1, $0x11  }
0xbb: {  	s0 =	sor.u32 s1, s0  }
0xbc: {  	s0 =	sadd.s32 $0x8F2B, s0  }
0xbd: {  	[sflag:s0] =	ssyncadd.remote.s32 $0x1  }
0xbe: {  	_ =	sfence.sel $0xFFFF  }
0xbf: {  	[dreg:$0x0] =	wrdreg $0xFFFFFFFF;
	(pc) =	sbr.abs _section_cstart, $3  }
0xc0: {  	[dreg:$0x1] =	wrdreg $0xFFFFFFFF  }
0xc1: {  	_ =	task.clear_ibuf [dreg:s7], $0x2FFFF;
	_ =	strace $0x9FFFFFFF  }
0xc2: {  	(tm) =	ssettm $0x7FFFFFFF  }
0xc3: {  	_ =	shalt  }
tec
execute0_lowered:
.L_overlay_start_1:
0x0: {  	(tag) =	ssettag $0x1  }
0x1: {  	s1 =	rddreg [dreg:$0x0]  }
0x2: {  	s4 =	rddreg [dreg:$0x1]  }
0x3: {  	s0 =	rddreg [dreg:$0x2];
	s5 =	srdreg.scid  }
0x4: {  	s3 =	simm.s32 $0x0;
	s2 =	stileid.u32;
	s10 =	simm.s32 $0x0  }
0x5: {  	s5 =	sand.u32 $0x1, s5;
	[smem:$0x7FF] =	sst s3;
	s6 =	sshll.u32 s2, $0xE  }
0x6: {  	s8 =	sshll.u32 s2, $0x12;
	s7 =	sshll.u32 s5, $0xD;
	_ =	strace $0x80000053  }
0x7: {  	s31 =	ssub.s32 $0x2, s5;
	s8 =	sadd.s32 s8, s4;
	s5 =	sshll.u32 s5, $0x11  }
0x8: {  	s6 =	sor.u32 s7, s6;
	s9 =	sshrl.u32 s31, $0x1;
	s5 =	sadd.s32 s5, s8  }
0x9: {  	s8 =	simm.s32 $0x80;
	s6 =	sshrl.u32 s6, $0x3;
	s7 =	ssub.s32 s31, s9  }
0xa: {  	s5 =	sadd.s32 $0xA800, s5;
	s9 =	simm.s32 $0x1;
	s6 =	sadd.s32 s6, s4  }
0xb: {  	s4 =	smax.u32 s7, $0x1;
	s7 =	simm.s32 $0x2;
	s6 =	sadd.s32 $0x2800, s6  }
.LBB2_1:
0xc: {  	s11 =	sadd.s32 $0x0, s6  }
0xd: {  	[tilespmem:s3], [sflag:$0x2] =	stream.linear.gather [hbm4b:s11+s3], $0x80, $0x38;
	[tilespmem:$0x4080] =	vst v63  }
0xe: {  	_ =	swait.ge [sflag:s7], $0x80  }
0xf: {  	[sflag:s7] =	ssyncset.done $0x0  }
0x10: {  	[sflag:s7] =	ssyncadd.s32 $0xFFFFFF80  }
0x11: {  	[tilespmem:s8], [sflag:$0x1] =	stream.indirect.gather [hbm4b:s1+s8], $0x80, s3, s8, $0xb8;
	[tilespmem:$0x4080] =	vst v63  }
0x12: {  	_ =	swait.ge [sflag:s9], $0x4000  }
0x13: {  	[sflag:s9] =	ssyncset.done $0x0  }
0x14: {  	[sflag:s9] =	ssyncadd.s32 $0xFFFFC000  }
0x15: {  	[hbm4b:s5+s3] =	stream.linear.scatter [tilespmem:s8], [sflag:$0x2], $0x4000, $0x38;
	[tilespmem:$0x4080] =	vst v63  }
0x16: {  	s12 =	simm.s32 $0x10;
	_ =	swait.ge [sflag:s7], $0x4000  }
0x17: {  	s13 =	simm.s32 $0x20;
	s11 =	sadd.s32 $0x800, s5;
	[sflag:s7] =	ssyncset.done $0x0  }
.LBB2_2:
0x18: {  	s14 =	sadd.s32 s12, s6  }
0x19: {  	[sflag:s7] =	ssyncadd.s32 $0xFFFFC000;
	s12 =	smov.u32 s13;
	s15 =	sadd.s32 $0x10, s13  }
0x1a: {  	[tilespmem:s3], [sflag:$0x2] =	stream.linear.gather [hbm4b:s14+s3], $0x80, $0x38;
	[tilespmem:$0x4080] =	vst v63  }
0x1b: {  	p0 =	sne.s32 s13, $0x3F0;
	_ =	swait.ge [sflag:s7], $0x80  }
0x1c: {  	[sflag:s7] =	ssyncset.done $0x0  }
0x1d: {  	[sflag:s7] =	ssyncadd.s32 $0xFFFFFF80  }
0x1e: {  	[tilespmem:s8], [sflag:$0x1] =	stream.indirect.gather [hbm4b:s1+s8], $0x80, s3, s8, $0xb8;
	[tilespmem:$0x4080] =	vst v63  }
0x1f: {  	_ =	swait.ge [sflag:s9], $0x4000  }
.Ltmp0:
0x20: {  	[sflag:s9] =	ssyncset.done $0x0;
	(pc) =	sbr.rel @p0 .LBB2_2-.Ltmp0, $4  }
0x21: {  	[sflag:s9] =	ssyncadd.s32 $0xFFFFC000  }
0x22: {  	[hbm4b:s11+s3] =	stream.linear.scatter [tilespmem:s8], [sflag:$0x2], $0x4000, $0x38;
	[tilespmem:$0x4080] =	vst v63  }
0x23: {  	_ =	swait.ge [sflag:s7], $0x4000  }
0x24: {  	s13 =	smov.u32 s15;
	s11 =	sadd.s32 $0x800, s11;
	[sflag:s7] =	ssyncset.done $0x0  }
0x25: {  	s12 =	sadd.s32 s12, s6;
	[sflag:s7] =	ssyncadd.s32 $0xFFFFC000  }
0x26: {  	[tilespmem:s3], [sflag:$0x2] =	stream.linear.gather [hbm4b:s12+s3], $0x80, $0x38;
	[tilespmem:$0x4080] =	vst v63  }
0x27: {  	_ =	swait.ge [sflag:s7], $0x80  }
0x28: {  	[sflag:s7] =	ssyncset.done $0x0  }
0x29: {  	[sflag:s7] =	ssyncadd.s32 $0xFFFFFF80  }
0x2a: {  	[tilespmem:s8], [sflag:$0x1] =	stream.indirect.gather [hbm4b:s1+s8], $0x80, s3, s8, $0xb8;
	[tilespmem:$0x4080] =	vst v63  }
0x2b: {  	s10 =	sadd.s32 $0x1, s10;
	_ =	swait.ge [sflag:s9], $0x4000  }
0x2c: {  	p0 =	sne.s32 s10, s4;
	[sflag:s9] =	ssyncset.done $0x0  }
.Ltmp1:
0x2d: {  	[sflag:s9] =	ssyncadd.s32 $0xFFFFC000;
	(pc) =	sbr.rel @p0 .LBB2_1-.Ltmp1, $4  }
0x2e: {  	[hbm4b:s11+s3] =	stream.linear.scatter [tilespmem:s8], [sflag:$0x2], $0x4000, $0x38;
	[tilespmem:$0x4080] =	vst v63  }
0x2f: {  	_ =	swait.ge [sflag:s7], $0x4000  }
0x30: {  	[sflag:s7] =	ssyncset.done $0x0  }
0x31: {  	[sflag:s7] =	ssyncadd.s32 $0xFFFFC000  }
0x32: {  	_ =	sfence.sel $0x180000  }
0x33: {  	[bflag:$0x0] =	sbarrier.arrive $0xFFFF  }
0x34: {  	p0 =	sne.s32 s2, $0x0;
	_ =	strace $0x90000053  }
0x35: {  	s0 =	sadd.s32 @!p0 $0x100000, s0;
	[bflag:$0x2] =	sbarrier.arrive $0xFFFF  }
0x36: {  	[sflag:s0] =	ssyncadd.tile.s32 @!p0 $0x1;
	_ =	shalt  }
.Lfunc_end2:
_tile_overlayer_lowered:
.L_overlay_start_2:
0x37: {  	(tag) =	ssettag $0x2  }
0x38: {  	s0 =	rddreg [dreg:$0x0];
	s2 =	stileid.u32  }
0x39: {  	s1 =	rddreg [dreg:$0x1];
	p0 =	sne.s32 s2, $0x0  }
0x3a: {  	s3 =	rddreg [dreg:$0x2];
	[bflag:$0x3] =	sbarrier.arrive $0xFFFF;
	s2 =	simm.s32 @!p0 $0x1C02  }
0x3b: {  	[timem:s3], [sflag:s2] =	dma.local @!p0 [hbm:s0], s1  }
0x3c: {  	s0 =	simm.s32 @!p0 $0x2  }
0x3d: {  	_ =	swait.ge @!p0 [sflag:s0], s1  }
0x3e: {  	s1 =	ssub.s32 @!p0 $0x0, s1;
	[sflag:s0] =	ssyncset.done @!p0 $0x0  }
0x3f: {  	[sflag:s0] =	ssyncadd.s32 @!p0 s1  }
0x40: {  	[bflag:$0x3] =	sbarrier.arrive $0xFFFF  }
0x41: {  	_ =	shalt  }

// kernel: sparse-core-data-format-call.cloned.1.call-start
scs
called_computation_lowered:
.L_overlay_start_0:
0x0: {  	s1 =	sld [smem:$0x3FD9]  }
0x1: {  	s2 =	sld [smem:$0x3FFE];
	_ =	sdelay $0x1  }
0x2: {  	s3 =	srdreg.scid  }
0x3: {  	s0 =	sand.u32 $0x1, s3  }
0x4: {  	s17 =	sshll.u32 s0, $0xA;
	s1 =	sadd.s32 s2, s1  }
0x5: {  	s1 =	sadd.s32 s1, s17  }
0x6: {  	[smem:$0x3FC5] =	sst s1  }
0x7: {  	_ = 	snop  }
0x8: {  	(tm) =	ssettm $0x1  }
0x9: {  	s18 =	sld [smem:$0x3FFB];
	_ =	sdelay $0x3  }
0xa: {  	_ =	strace s18  }
0xb: {  	s1 =	sld [smem:$0x3FFC];
	_ =	sdelay $0x3  }
0xc: {  	_ =	strace s1  }
0xd: {  	s1 =	sld [smem:$0x3FFD];
	_ =	sdelay $0x3  }
0xe: {  	_ =	strace s1  }
0xf: {  	_ =	strace $0x8FFFFFFF  }
0x10: {  	s19 =	sld [smem:$0x3FDB];
	_ =	sdelay $0x1  }
0x11: {  	s20 =	simm.s32 $_scs_section_size  }
0x12: {  	s4 =	simm.s32 $_size__tile_overlayer_lowered;
	s5 =	simm.s32 $_tile_overlayer_lowered  }
0x13: {  	s23 =	simm.s32 $0x1BFF;
	s22 =	sshll.u32 s5, $0x1;
	s1 =	sadd.s32 s20, s19  }
0x14: {  	s6 =	simm.s32 $0x0;
	s21 =	sshll.u32 s4, $0x1;
	s4 =	sadd.s32 s22, s1  }
0x15: {  	[timem:s6], [sflag:s23] =	dma.local [hbm:s4], s21  }
0x16: {  	_ =	swait.ge [sflag:s23], s21  }
0x17: {  	s2 =	ssub.s32 $0x0, s21;
	[sflag:s23] =	ssyncset.done $0x0  }
0x18: {  	[sflag:s23] =	ssyncadd.s32 s2;
	_ =	sdelay $0x1  }
0x19: {  	s24 =	simm.s32 $0x1B8B  }
0x1a: {  	_ =	swait.ge [sflag:s24], $0x1  }
0x1b: {  	[sflag:s24] =	ssyncset.done $0x0  }
0x1c: {  	s26 =	simm.s32 $0x1B8E;
	s25 =	sld [smem:$0x3FFE];
	[sflag:s24] =	ssyncadd.s32 $0xFFFFFFFF  }
0x1d: {  	s27 =	simm.s32 $execute0_lowered;
	[smem:$0x3FD2] =	sst s26  }
0x1e: {  	s4 =	sshll.u32 s27, $0x1;
	_ =	strace $0x80000046;
	[dreg:$0x1] =	wrdreg $0xFFFFFFFF  }
0x1f: {  	s28 =	simm.s32 $_size_execute0_lowered;
	s1 =	sadd.s32 s1, s4;
	[dreg:$0x0] =	wrdreg $0x0  }
0x20: {  	s4 =	sshll.u32 s28, $0x1;
	[dreg:$0x2] =	wrdreg s1  }
0x21: {  	[dreg:$0x3] =	wrdreg s4  }
0x22: {  	[dreg:$0x4] =	wrdreg $0xC0  }
0x23: {  	_ =	task [dreg:s6], $0x5FFFF  }
0x24: {  	[dreg:$0x1] =	wrdreg $0xFFFFFFFF  }
0x25: {  	[dreg:$0x0] =	wrdreg $0x60  }
0x26: {  	[dreg:$0x2] =	wrdreg s25  }
0x27: {  	[dreg:$0x3] =	wrdreg $0x9  }
0x28: {  	_ =	task.clear_ibuf [dreg:s6], $0x4FFFF;
	_ =	strace $0x90000046  }
0x29: {  	s29 =	simm.s32 $0x9;
	_ =	strace $0x80000048  }
0x2a: {  	_ =	swait.ge [sflag:s29], $0x1  }
0x2b: {  	[sflag:s29] =	ssyncadd.s32 $0xFFFFFFFF  }
0x2c: {  	_ =	strace $0x90000048  }
0x2d: {  	_ =	sfence  }
0x2e: {  	s30 =	sld [smem:$0x0];
	_ =	sdelay $0x2  }
0x2f: {  	s31 =	sshll.u32 s3, $0xD;
	s3 =	sshrl.u32 s3, $0x2  }
0x30: {  	s2 =	sand.u32 $0x4000, s31;
	s1 =	sadd.s32 s3, s30  }
0x31: {  	s0 =	sor.u32 s2, s0;
	s1 =	sshll.u32 s1, $0x11  }
0x32: {  	s0 =	sor.u32 s1, s0  }
0x33: {  	s0 =	sadd.s32 $0x8F2B, s0  }
0x34: {  	[sflag:s0] =	ssyncadd.remote.s32 $0x1  }
0x35: {  	_ =	sfence.sel $0xFFFF  }
0x36: {  	[dreg:$0x0] =	wrdreg $0xFFFFFFFF;
	(pc) =	sbr.abs _section_cstart, $3  }
0x37: {  	[dreg:$0x1] =	wrdreg $0xFFFFFFFF  }
0x38: {  	_ =	task.clear_ibuf [dreg:s6], $0x2FFFF;
	_ =	strace $0x9FFFFFFF  }
0x39: {  	(tm) =	ssettm $0x7FFFFFFF  }
tec
execute0_lowered:
.L_overlay_start_1:
0x0: {  	(tag) =	ssettag $0x1  }
0x1: {  	s0 =	srdreg.scid  }
0x2: {  	s1 =	sshll.u32 s0, $0x4  }
0x3: {  	s0 =	stileid.u32;
	s1 =	sand.u32 $0x10, s1  }
0x4: {  	s5 =	rddreg [dreg:$0x0];
	s31 =	simm.s32 $0x2;
	s3 =	sor.u32 s0, s1  }
0x5: {  	s12 =	simm.s32 $0x0;
	s8 =	simm.s32 $0x400;
	s2 =	sshll.u32 s3, $0x7  }
0x6: {  	s9 =	simm.s32 $0x8000;
	s13 =	simm.s32 $0x0;
	s4 =	ssub.s32 $0x1000, s2  }
0x7: {  	s10 =	simm.s32 $0x0;
	s1 =	rddreg [dreg:$0x1];
	s6 =	sand.u32 $0xF80, s4  }
0x8: {  	_ =	strace $0x80000047;
	p0 =	sne.s32 s6, $0x0;
	s6 =	simm.s32 $0x1  }
.Ltmp0:
0x9: {  	s4 =	sshrl.u32 s4, $0xC;
	s6 =	simm.s32 @!p0 $0x0;
	(pc) =	sbr.rel .LBB1_1-.Ltmp0, $4  }
0xa: {  	s7 =	sshll.u32 s3, $0xB;
	s3 =	simm.s32 $0x1;
	s4 =	sadd.s32 s6, s4  }
0xb: {  	s11 =	simm.s32 $0x0;
	[sflag:s3] =	ssyncpa.u1 $0x0;
	s4 =	smul.u32 $0x64, s4  }
0xc: {  	s7 =	sadd.s32 s7, s5;
	s5 =	sadd.s32 $0x3E82800, s5;
	[sflag:s31] =	ssyncpa.u1 $0x0  }
0xd: {  	p0 =	por $0x0, $0x0;
	s6 =	sadd.s32 $0x642800, s7;
	s7 =	sor.u32 $0x1, s4  }
.LBB1_4:
0xe: {  	v5 =	vld [tilespmem:s17+$0xFFFFFFD0];
	[tilespmem:s16+$0x2040 ss:$0x81] =	vst.msk $0xffff, v1  }
0xf: {  	v58 =	vld [tilespmem:s17+$0xFFFFFFE0];
	[tilespmem:s16+$0x2850 ss:$0x81] =	vst.msk $0xffff, v2  }
0x10: {  	s18 =	sshra.s32 s18, $0x2;
	v59 =	vld [tilespmem:s17+$0xFFFFFFF0];
	[tilespmem:s16+$0x3060 ss:$0x81] =	vst.msk $0xffff, v3  }
0x11: {  	v60 =	vld [tilespmem:s17+$0x0];
	[tilespmem:s16+$0x0 ss:$0x81] =	vst.msk $0xffff, v0;
	s15 =	sadd.s32 s18, s15  }
0x12: {  	v61 =	vld [tilespmem:s17+$0x10];
	[tilespmem:s15+$0x3870 ss:$0x81] =	vst.msk $0xffff, v4  }
0x13: {  	v62 =	vld [tilespmem:s17+$0x20];
	[tilespmem:s15+$0x810 ss:$0x81] =	vst.msk $0xffff, v5  }
0x14: {  	v63 =	vld [tilespmem:s17+$0xFFFFFFC0];
	[tilespmem:s15+$0x1020 ss:$0x81] =	vst.msk $0xffff, v58  }
0x15: {  	[tilespmem:s15+$0x1830 ss:$0x81] =	vst.msk $0xffff, v59  }
0x16: {  	[tilespmem:s15+$0x2040 ss:$0x81] =	vst.msk $0xffff, v60  }
0x17: {  	s13 =	sshll.u32 s13, $0x10;
	[tilespmem:s15+$0x2850 ss:$0x81] =	vst.msk $0xffff, v61  }
0x18: {  	s13 =	sadd.s32 s5, s13;
	[tilespmem:s15+$0x3060 ss:$0x81] =	vst.msk $0xffff, v62  }
0x19: {  	s12 =	sadd.s32 s12, s13;
	[tilespmem:s15+$0x0 ss:$0x81] =	vst.msk $0xffff, v63  }
0x1a: {  	[hbm4b:s12+s8] =	stream.strided.scatter [tilespmem:s14], [sflag:$0x2], $0x4000, s9, s8, $0x20;
	[tilespmem:$0x10100] =	vst v63  }
.LBB1_5:
0x1b: {  	s14 =	sadd.s32 $0x1, s10  }
0x1c: {  	p2 =	sgt.s32 s14, $0x63  }
0x1d: {  	s14 =	simm.s32 @p2 $0x0;
	p2 =	sne.s32 s11, s7  }
.Ltmp1:
0x1e: {  	p1 =	slt.u32 s11, $0x2;
	(pc) =	sbr.rel @!p2 .LBB1_6-.Ltmp1, $4  }
0x1f: {  	s12 =	simm.s32 @!p1 $0x2  }
0x20: {  	s15 =	sadd.s32 $0x1, s11;
	s13 =	smov.u32 s10;
	_ =	swait.ge @!p1 [sflag:s12], $0x4000  }
0x21: {  	p0 =	por !p0, !p0;
	s11 =	smov.u32 s15;
	[sflag:s12] =	ssyncset.done @!p1 $0x0  }
0x22: {  	s10 =	smov.u32 s14;
	[sflag:s12] =	ssyncadd.s32 @!p1 $0xFFFFC000;
	s12 =	smov.u32 s2  }
.LBB1_1:
0x23: {  	p1 =	sge.u32 s11, s4  }
0x24: {  	s14 =	sxor.u32 @!p1 $0xFFFFFFFF, s11  }
0x25: {  	s31 =	sadd.s32 $0xFFFFFFFF, s11;
	s15 =	sshll.u32 @!p1 s10, $0x10;
	s14 =	sshll.u32 @!p1 s14, $0xE  }
0x26: {  	s16 =	simm.s32 @!p1 $0x0;
	s15 =	sadd.s32 @!p1 s15, s6;
	s14 =	sand.u32 @!p1 $0x4000, s14  }
0x27: {  	[tilespmem:s14], [sflag:$0x1] =	stream.linear.gather @!p1 [hbm4b:s15+s16], $0x4000, $0x38;
	[tilespmem:$0x10100] =	vst v63  }
0x28: {  	p1 =	sge.u32 s31, s4  }
.Ltmp2:
0x29: {  	_ = 	snop;
	(pc) =	sbr.rel @p1 .LBB1_5-.Ltmp2, $1  }
0x2a: {  	_ =	sdelay $0x3  }
0x2b: {  	s14 =	simm.s32 $0x1  }
0x2c: {  	_ =	swait.ge [sflag:s3], $0x4000;
	s14 =	simm.s32 @!p0 $0x0  }
0x2d: {  	[sflag:s3] =	ssyncset.done $0x0;
	s15 =	sshll.u32 s14, $0xE  }
0x2e: {  	[sflag:s3] =	ssyncadd.s32 $0xFFFFC000;
	s17 =	sor.u32 $0x40, s15  }
0x2f: {  	s14 =	smul.u32 $0x10200, s14;
	v0 =	vld [tilespmem:s17+$0x30]  }
0x30: {  	v3 =	vld [tilespmem:s17+$0xFFFFFFD0]  }
0x31: {  	s14 =	sshrl.u32 s14, $0x2;
	v4 =	vld [tilespmem:s17+$0xFFFFFFE0]  }
0x32: {  	v5 =	vld [tilespmem:s17+$0xFFFFFFF0];
	s15 =	sor.u32 $0x8000, s14  }
0x33: {  	s31 =	sand.u32 $0x1, s11;
	v1 =	vld [tilespmem:s17+$0x0];
	s16 =	sadd.s32 $0x0, s15  }
0x34: {  	v2 =	vld [tilespmem:s17+$0x10];
	s14 =	smul.u32 $0x10200, s31;
	[tilespmem:s16+$0x3870 ss:$0x81] =	vst.msk $0xffff, v0  }
0x35: {  	[tilespmem:s16+$0x810 ss:$0x81] =	vst.msk $0xffff, v3;
	v3 =	vld [tilespmem:s17+$0x20]  }
0x36: {  	s14 =	sshrl.u32 s14, $0x2;
	v0 =	vld [tilespmem:s17+$0xFFFFFFC0];
	[tilespmem:s16+$0x1020 ss:$0x81] =	vst.msk $0xffff, v4;
	s17 =	sadd.s32 $0x80, s17  }
0x37: {  	s18 =	simm.s32 $0x4;
	s19 =	simm.s32 $0x8;
	s14 =	sor.u32 $0x8000, s14;
	[tilespmem:s16+$0x1830 ss:$0x81] =	vst.msk $0xffff, v5;
	v4 =	vld [tilespmem:s17+$0x30]  }
.LBB1_3:
0x38: {  	p1 =	sne.s32 s19, $0x1FC;
	v5 =	vld [tilespmem:s17+$0xFFFFFFD0];
	[tilespmem:s16+$0x2040 ss:$0x81] =	vst.msk $0xffff, v1  }
0x39: {  	v6 =	vld [tilespmem:s17+$0xFFFFFFE0];
	[tilespmem:s16+$0x2850 ss:$0x81] =	vst.msk $0xffff, v2  }
0x3a: {  	s20 =	sshra.s32 s18, $0x2;
	s18 =	smov.u32 s19;
	v7 =	vld [tilespmem:s17+$0xFFFFFFF0];
	[tilespmem:s16+$0x3060 ss:$0x81] =	vst.msk $0xffff, v3  }
.Ltmp3:
0x3b: {  	v1 =	vld [tilespmem:s17+$0x0];
	[tilespmem:s16+$0x0 ss:$0x81] =	vst.msk $0xffff, v0;
	s16 =	sadd.s32 s20, s15;
	(pc) =	sbr.rel @p1 .LBB1_3-.Ltmp3, $4  }
0x3c: {  	v2 =	vld [tilespmem:s17+$0x10];
	[tilespmem:s16+$0x3870 ss:$0x81] =	vst.msk $0xffff, v4  }
0x3d: {  	[tilespmem:s16+$0x810 ss:$0x81] =	vst.msk $0xffff, v5;
	v3 =	vld [tilespmem:s17+$0x20]  }
0x3e: {  	v0 =	vld [tilespmem:s17+$0xFFFFFFC0];
	[tilespmem:s16+$0x1020 ss:$0x81] =	vst.msk $0xffff, v6;
	s17 =	sadd.s32 $0x80, s17  }
0x3f: {  	s19 =	sadd.s32 $0x4, s19;
	v4 =	vld [tilespmem:s17+$0x30];
	[tilespmem:s16+$0x1830 ss:$0x81] =	vst.msk $0xffff, v7  }
.Ltmp4:
0x40: {  	_ = 	snop;
	(pc) =	sbr.rel .LBB1_4-.Ltmp4, $1  }
0x41: {  	_ =	sdelay $0x3  }
.LBB1_6:
0x42: {  	_ =	sfence.sel $0x180000  }
0x43: {  	s2 =	simm.s32 $0x1;
	[bflag:$0x0] =	sbarrier.arrive $0xFFFF  }
0x44: {  	s31 =	simm.s32 $0x2;
	[sflag:s2] =	ssyncpa.u1 $0x1  }
0x45: {  	[sflag:s31] =	ssyncpa.u1 $0x1  }
0x46: {  	p0 =	sne.s32 s0, $0x0;
	_ =	strace $0x90000047  }
0x47: {  	s0 =	sadd.s32 @!p0 $0x100000, s1;
	[bflag:$0x2] =	sbarrier.arrive $0xFFFF  }
0x48: {  	[sflag:s0] =	ssyncadd.tile.s32 @!p0 $0x1;
	_ =	shalt  }
.Lfunc_end1:
_tile_overlayer_lowered:
.L_overlay_start_2:
0x49: {  	(tag) =	ssettag $0x2  }
0x4a: {  	s0 =	rddreg [dreg:$0x0];
	s2 =	stileid.u32  }
0x4b: {  	s1 =	rddreg [dreg:$0x1];
	p0 =	sne.s32 s2, $0x0  }
0x4c: {  	s3 =	rddreg [dreg:$0x2];
	[bflag:$0x3] =	sbarrier.arrive $0xFFFF;
	s2 =	simm.s32 @!p0 $0x1C01  }
0x4d: {  	[timem:s3], [sflag:s2] =	dma.local @!p0 [hbm:s0], s1  }
0x4e: {  	s0 =	simm.s32 @!p0 $0x1  }
0x4f: {  	_ =	swait.ge @!p0 [sflag:s0], s1  }
0x50: {  	s1 =	ssub.s32 @!p0 $0x0, s1;
	[sflag:s0] =	ssyncset.done @!p0 $0x0  }
0x51: {  	[sflag:s0] =	ssyncadd.s32 @!p0 s1  }
0x52: {  	[bflag:$0x3] =	sbarrier.arrive $0xFFFF  }
0x53: {  	_ =	shalt  }

</sc_bundles>
